<compile_context>
chip_gen: v7x
topology: tpu7x:2x2x1
jax: 0.10.2.dev20260603
libtpu: 0.0.44.dev20260713+nightly
codegen_flags: <defaults>
</compile_context>

<pallas_src>
import functools

import jax
import jax.numpy as jnp
from jax import lax
from jax.experimental import pallas as pl
from jax.experimental.pallas import tpu as pltpu
from jax.experimental.pallas import tpu_sc as plsc

NUM_E = 8192
DIM = 256
N_TOK = 16384
BM = 2048
BN = 1024
RW0, RW1 = 342, 684
NR = NUM_E // 8


def _bf16_rne(x):
    b = lax.bitcast_convert_type(x, jnp.uint32)
    r = (b + jnp.uint32(0x7FFF) + ((b >> 16) & jnp.uint32(1))) & jnp.uint32(0xFFFF0000)
    return lax.bitcast_convert_type(r, jnp.float32)


def _dist_argmin_body(r1_ref, r2_ref, z_ref, cb_ref, idx_ref, dpick_ref, m_s0, m_s1):
    zb2 = z_ref[...] * 2.0
    r1v = r1_ref[...]

    inf8 = jnp.full((8, BM), jnp.inf, jnp.float32)
    zero8 = jnp.zeros((8, BM), jnp.float32)
    wins = [(inf8, zero8), (inf8, zero8), (inf8, zero8)]

    nchunks = NUM_E // BN
    rpc = BN // 8
    bufs = (m_s0, m_s1)

    for c in range(nchunks):
        m_s = bufs[c % 2]
        m_s[...] = lax.dot_general(
            cb_ref[pl.ds(c * BN, BN), :], zb2, (((1,), (1,)), ((), ())),
            preferred_element_type=jnp.float32)
        r2c = r2_ref[pl.ds(c * BN, BN), :]
        d3 = ((r1v + r2c) - m_s[...]).reshape(rpc, 8, BM)

        lo = c * rpc
        for w, (wlo, whi) in enumerate(((0, RW0), (RW0, RW1), (RW1, NR))):
            slo, shi = max(lo, wlo), min(lo + rpc, whi)
            if slo >= shi:
                continue
            seg = d3[slo - lo:shi - lo]
            nr = shi - slo
            segmin = jnp.min(seg, axis=0)
            riota = lax.broadcasted_iota(jnp.int32, (nr, 8, BM), 0).astype(jnp.float32)
            cand = jnp.where(seg == segmin[None], riota, jnp.inf)
            segidx = jnp.min(cand, axis=0) + jnp.float32(slo)
            bv, bi = wins[w]
            take = (segmin < bv) | ((segmin == bv) & (segidx < bi))
            wins[w] = (jnp.where(take, segmin, bv), jnp.where(take, segidx, bi))

    s_iota = lax.broadcasted_iota(jnp.int32, (8, BM), 0).astype(jnp.float32)

    def smerge(vals, js):
        js = js * 8 + s_iota
        for h in (4, 2, 1):
            v1, v2 = vals[0:h], vals[h:2 * h]
            j1, j2 = js[0:h], js[h:2 * h]
            take = (v2 < v1) | ((v2 == v1) & (j2 < j1))
            vals = jnp.where(take, v2, v1)
            js = jnp.where(take, j2, j1)
        return vals, js

    (v0, i0) = smerge(*wins[0])
    (v1, i1) = smerge(*wins[1])
    (v2, i2) = smerge(*wins[2])

    accv = _bf16_rne(v0)
    acci = i0
    pickv = v0
    take = v1 < accv
    accv = jnp.where(take, _bf16_rne(v1), accv)
    acci = jnp.where(take, i1, acci)
    pickv = jnp.where(take, v1, pickv)
    take = v2 < accv
    acci = jnp.where(take, i2, acci)
    pickv = jnp.where(take, v2, pickv)

    idx_ref[...] = acci.astype(jnp.int32).reshape(BM)
    dpick_ref[...] = pickv.reshape(BM)


def _dist_argmin(r1, r2, z_flat, codebook):
    ntok = z_flat.shape[0]
    return pl.pallas_call(
        _dist_argmin_body,
        grid=(ntok // BM,),
        in_specs=[
            pl.BlockSpec((1, BM), lambda i: (0, i)),
            pl.BlockSpec((NUM_E, 1), lambda i: (0, 0)),
            pl.BlockSpec((BM, DIM), lambda i: (i, 0)),
            pl.BlockSpec((NUM_E, DIM), lambda i: (0, 0)),
        ],
        out_specs=[
            pl.BlockSpec((BM,), lambda i: (i,)),
            pl.BlockSpec((BM,), lambda i: (i,)),
        ],
        out_shape=[
            jax.ShapeDtypeStruct((ntok,), jnp.int32),
            jax.ShapeDtypeStruct((ntok,), jnp.float32),
        ],
        scratch_shapes=[pltpu.VMEM((BN, BM), jnp.float32),
                        pltpu.VMEM((BN, BM), jnp.float32)],
        compiler_params=pltpu.CompilerParams(
            dimension_semantics=("parallel",)),
    )(r1, r2, z_flat, codebook)


_SC_CHUNK = 128


def _sc_gather(codebook, idx):
    info = plsc.get_sparse_core_info()
    nw = info.num_cores * info.num_subcores
    b_per_w = N_TOK // nw
    nchunk = b_per_w // _SC_CHUNK
    mesh = plsc.VectorSubcoreMesh(core_axis_name="c", subcore_axis_name="s")

    @functools.partial(
        pl.kernel, mesh=mesh,
        out_type=jax.ShapeDtypeStruct((N_TOK, DIM), jnp.float32),
        scratch_types=[
            pltpu.VMEM((_SC_CHUNK,), jnp.int32),
            pltpu.VMEM((_SC_CHUNK, DIM), jnp.float32),
            pltpu.SemaphoreType.DMA,
        ],
    )
    def gather(table_hbm, idx_hbm, out_hbm, idx_v, rows_v, sem):
        wid = lax.axis_index("s") * info.num_cores + lax.axis_index("c")
        base = wid * b_per_w
        for t in range(nchunk):
            off = base + t * _SC_CHUNK
            pltpu.sync_copy(idx_hbm.at[pl.ds(off, _SC_CHUNK)], idx_v)
            pltpu.async_copy(table_hbm.at[idx_v], rows_v, sem).wait()
            pltpu.sync_copy(rows_v, out_hbm.at[pl.ds(off, _SC_CHUNK)])

    return gather(codebook, idx)


def kernel(z, codebook):
    zz = z[0]
    z_flat = zz.reshape(-1, DIM)
    r1 = jnp.sum(zz ** 2, axis=-1).reshape(1, -1)
    r2 = jnp.sum(codebook ** 2, axis=1).reshape(-1, 1)
    idx, dpick = _dist_argmin(r1, r2, z_flat, codebook)
    zq = _sc_gather(codebook, idx)
    z_out = zq.reshape(zz.shape)
    vq_loss = 1.1 * (jnp.sum(dpick) / jnp.float32(z_flat.size))
    return (z_out, vq_loss)

# --- scband reference (transcript-rebuilt; emitter-appended) ---
"""Pipeline reference for scband-vqvae-24721831756115 (READ-ONLY COPY).

The authoritative reference and input builder live on the scoring server;
editing this copy changes nothing except your own understanding.
"""

import jax, jax.numpy as jnp
import numpy as np

NUM_EMBEDDINGS = 8192
EMBEDDING_DIM = 256
COMMITMENT_COST = 0.1


def setup_inputs(seed: int = 0) -> dict:
    key = jax.random.key(seed)
    k1, k2 = jax.random.split(key)
    # z arrives wrapped (forward does z = z[0]), so add a leading dim of 1
    z = jax.random.normal(k1, (1, 16, 1024, EMBEDDING_DIM), dtype=jnp.float32)
    # nn.Embedding weight init: uniform(-1/num_embeddings, 1/num_embeddings)
    codebook = jax.random.uniform(
        k2, (NUM_EMBEDDINGS, EMBEDDING_DIM), dtype=jnp.float32,
        minval=-1.0 / NUM_EMBEDDINGS, maxval=1.0 / NUM_EMBEDDINGS)
    return {"z": z, "codebook": codebook}


def reference(z, codebook):
    zz = z[0]
    d = zz.shape[-1]
    z_flat = zz.reshape(-1, d)
    distances = (jnp.sum(z_flat ** 2, axis=1, keepdims=True)
                 + jnp.sum(codebook ** 2, axis=1)
                 - 2.0 * jnp.matmul(z_flat, codebook.T))
    indices = jnp.argmin(distances, axis=1)
    z_quantized = jnp.take(codebook, indices, axis=0).reshape(zz.shape)
    zq_sg = jax.lax.stop_gradient(z_quantized)
    commitment_loss = jnp.mean((zq_sg - zz) ** 2)
    vq_loss = jnp.mean((zz - zq_sg) ** 2) + COMMITMENT_COST * commitment_loss
    z_out = zz + jax.lax.stop_gradient(z_quantized - zz)
    return (z_out, vq_loss)

if __name__ == "__main__":
    import jax
    _d = setup_inputs()
    print(jax.jit(kernel)(*tuple(_d.values())))

</pallas_src>

<mosaic_0001>
#map = affine_map<(d0, d1) -> (0, 0)>
#map1 = affine_map<(d0, d1) -> (0)>
module attributes {stable_mosaic.version = 14 : i64} {
  func.func @gather(%arg0: i32, %arg1: i32, %arg2: memref<8192x256xf32, #tpu.memory_space<hbm>>, %arg3: memref<16384xi32, #tpu.memory_space<hbm>>, %arg4: memref<16384x256xf32, #tpu.memory_space<hbm>>, %arg5: memref<128xi32, #tpu.memory_space<vmem>>, %arg6: memref<128x256xf32, #tpu.memory_space<vmem>>, %arg7: memref<!tpu.dma_semaphore, #tpu.memory_space<semaphore_mem>>) attributes {dimension_semantics = [#tpu.dimension_semantics<core_parallel>, #tpu.dimension_semantics<subcore_parallel>], iteration_bounds = array<i64: 2, 16>, scalar_prefetch = 0 : i64, scratch_operands = 3 : i64, tpu.core_type = #tpu.core_type<sc_vector_subcore>, window_params = [{transform_indices = #map}, {transform_indices = #map1}, {transform_indices = #map}]} {
    %mul3A = arith.constant 2 : i32
    %mul3A_0 = arith.muli %arg1, %mul3A : i32
    %add3A = arith.addi %mul3A_0, %arg0 : i32
    %mul3A_1 = arith.constant 512 : i32
    %mul3A_2 = arith.muli %add3A, %mul3A_1 : i32
    %add3A_3 = arith.constant 0 : i32
    %add3A_4 = arith.addi %mul3A_2, %add3A_3 : i32
    "tpu.region"() ({
      %run_scoped3A = tpu.sem_alloc : memref<!tpu.dma_semaphore, #tpu.memory_space<semaphore_mem>>
      %dma_start3A_33 = tpu.memref_slice %arg3[%add3A_4] : memref<16384xi32, #tpu.memory_space<hbm>> -> memref<128xi32, #tpu.memory_space<hbm>>
      %dma_start3A_34 = tpu.memref_slice %arg3[%add3A_4] : memref<16384xi32, #tpu.memory_space<hbm>> -> memref<128xi32, #tpu.memory_space<hbm>>
      tpu.enqueue_dma source(%dma_start3A_34 : memref<128xi32, #tpu.memory_space<hbm>>) target(%arg5 : memref<128xi32, #tpu.memory_space<vmem>>) target_semaphore(%run_scoped3A : memref<!tpu.dma_semaphore, #tpu.memory_space<semaphore_mem>>)
      %dma_wait3A_35 = tpu.memref_slice %arg3[%add3A_4] : memref<16384xi32, #tpu.memory_space<hbm>> -> memref<128xi32, #tpu.memory_space<hbm>>
      %dma_wait3A_36 = tpu.memref_slice %arg3[%add3A_4] : memref<16384xi32, #tpu.memory_space<hbm>> -> memref<128xi32, #tpu.memory_space<hbm>>
      tpu.wait_dma2 semaphore(%run_scoped3A : memref<!tpu.dma_semaphore, #tpu.memory_space<semaphore_mem>>) src(%dma_wait3A_36 : memref<128xi32, #tpu.memory_space<hbm>>) dst(%arg5 : memref<128xi32, #tpu.memory_space<vmem>>)
      tpu.yield
    }) : () -> ()
    %dma_start3A = arith.constant 0 : i32
    %dma_start3A_5 = arith.constant 0 : i32
    %dma_start3A_6 = tpu.memref_slice %arg2[%dma_start3A, %dma_start3A_5] : memref<8192x256xf32, #tpu.memory_space<hbm>> -> memref<8192x256xf32, #tpu.memory_space<hbm>>
    tpu.enqueue_indirect_dma source(%dma_start3A_6 : memref<8192x256xf32, #tpu.memory_space<hbm>>) target(%arg6 : memref<128x256xf32, #tpu.memory_space<vmem>>) offsets(%arg5 : memref<128xi32, #tpu.memory_space<vmem>>) semaphore(%arg7 : memref<!tpu.dma_semaphore, #tpu.memory_space<semaphore_mem>>)
    %dma_wait3A = arith.constant 0 : i32
    %dma_wait3A_7 = arith.constant 0 : i32
    %dma_wait3A_8 = tpu.memref_slice %arg2[%dma_wait3A, %dma_wait3A_7] : memref<8192x256xf32, #tpu.memory_space<hbm>> -> memref<8192x256xf32, #tpu.memory_space<hbm>>
    tpu.wait_indirect_dma semaphore(%arg7 : memref<!tpu.dma_semaphore, #tpu.memory_space<semaphore_mem>>) src(%dma_wait3A_8 : memref<8192x256xf32, #tpu.memory_space<hbm>>) dst(%arg6 : memref<128x256xf32, #tpu.memory_space<vmem>>)
    "tpu.region"() ({
      %run_scoped3A = tpu.sem_alloc : memref<!tpu.dma_semaphore, #tpu.memory_space<semaphore_mem>>
      %dma_start3A_33 = arith.constant 0 : i32
      %dma_start3A_34 = tpu.memref_slice %arg4[%add3A_4, %dma_start3A_33] : memref<16384x256xf32, #tpu.memory_space<hbm>> -> memref<128x256xf32, #tpu.memory_space<hbm>>
      %dma_start3A_35 = arith.constant 0 : i32
      %dma_start3A_36 = tpu.memref_slice %arg4[%add3A_4, %dma_start3A_35] : memref<16384x256xf32, #tpu.memory_space<hbm>> -> memref<128x256xf32, #tpu.memory_space<hbm>>
      tpu.enqueue_dma source(%arg6 : memref<128x256xf32, #tpu.memory_space<vmem>>) target(%dma_start3A_36 : memref<128x256xf32, #tpu.memory_space<hbm>>) target_semaphore(%run_scoped3A : memref<!tpu.dma_semaphore, #tpu.memory_space<semaphore_mem>>)
      %dma_wait3A_37 = arith.constant 0 : i32
      %dma_wait3A_38 = tpu.memref_slice %arg4[%add3A_4, %dma_wait3A_37] : memref<16384x256xf32, #tpu.memory_space<hbm>> -> memref<128x256xf32, #tpu.memory_space<hbm>>
      %dma_wait3A_39 = arith.constant 0 : i32
      %dma_wait3A_40 = tpu.memref_slice %arg4[%add3A_4, %dma_wait3A_39] : memref<16384x256xf32, #tpu.memory_space<hbm>> -> memref<128x256xf32, #tpu.memory_space<hbm>>
      tpu.wait_dma2 semaphore(%run_scoped3A : memref<!tpu.dma_semaphore, #tpu.memory_space<semaphore_mem>>) src(%arg6 : memref<128x256xf32, #tpu.memory_space<vmem>>) dst(%dma_wait3A_40 : memref<128x256xf32, #tpu.memory_space<hbm>>)
      tpu.yield
    }) : () -> ()
    %add3A_9 = arith.constant 128 : i32
    %add3A_10 = arith.addi %mul3A_2, %add3A_9 : i32
    "tpu.region"() ({
      %run_scoped3A = tpu.sem_alloc : memref<!tpu.dma_semaphore, #tpu.memory_space<semaphore_mem>>
      %dma_start3A_33 = tpu.memref_slice %arg3[%add3A_10] : memref<16384xi32, #tpu.memory_space<hbm>> -> memref<128xi32, #tpu.memory_space<hbm>>
      %dma_start3A_34 = tpu.memref_slice %arg3[%add3A_10] : memref<16384xi32, #tpu.memory_space<hbm>> -> memref<128xi32, #tpu.memory_space<hbm>>
      tpu.enqueue_dma source(%dma_start3A_34 : memref<128xi32, #tpu.memory_space<hbm>>) target(%arg5 : memref<128xi32, #tpu.memory_space<vmem>>) target_semaphore(%run_scoped3A : memref<!tpu.dma_semaphore, #tpu.memory_space<semaphore_mem>>)
      %dma_wait3A_35 = tpu.memref_slice %arg3[%add3A_10] : memref<16384xi32, #tpu.memory_space<hbm>> -> memref<128xi32, #tpu.memory_space<hbm>>
      %dma_wait3A_36 = tpu.memref_slice %arg3[%add3A_10] : memref<16384xi32, #tpu.memory_space<hbm>> -> memref<128xi32, #tpu.memory_space<hbm>>
      tpu.wait_dma2 semaphore(%run_scoped3A : memref<!tpu.dma_semaphore, #tpu.memory_space<semaphore_mem>>) src(%dma_wait3A_36 : memref<128xi32, #tpu.memory_space<hbm>>) dst(%arg5 : memref<128xi32, #tpu.memory_space<vmem>>)
      tpu.yield
    }) : () -> ()
    %dma_start3A_11 = arith.constant 0 : i32
    %dma_start3A_12 = arith.constant 0 : i32
    %dma_start3A_13 = tpu.memref_slice %arg2[%dma_start3A_11, %dma_start3A_12] : memref<8192x256xf32, #tpu.memory_space<hbm>> -> memref<8192x256xf32, #tpu.memory_space<hbm>>
    tpu.enqueue_indirect_dma source(%dma_start3A_13 : memref<8192x256xf32, #tpu.memory_space<hbm>>) target(%arg6 : memref<128x256xf32, #tpu.memory_space<vmem>>) offsets(%arg5 : memref<128xi32, #tpu.memory_space<vmem>>) semaphore(%arg7 : memref<!tpu.dma_semaphore, #tpu.memory_space<semaphore_mem>>)
    %dma_wait3A_14 = arith.constant 0 : i32
    %dma_wait3A_15 = arith.constant 0 : i32
    %dma_wait3A_16 = tpu.memref_slice %arg2[%dma_wait3A_14, %dma_wait3A_15] : memref<8192x256xf32, #tpu.memory_space<hbm>> -> memref<8192x256xf32, #tpu.memory_space<hbm>>
    tpu.wait_indirect_dma semaphore(%arg7 : memref<!tpu.dma_semaphore, #tpu.memory_space<semaphore_mem>>) src(%dma_wait3A_16 : memref<8192x256xf32, #tpu.memory_space<hbm>>) dst(%arg6 : memref<128x256xf32, #tpu.memory_space<vmem>>)
    "tpu.region"() ({
      %run_scoped3A = tpu.sem_alloc : memref<!tpu.dma_semaphore, #tpu.memory_space<semaphore_mem>>
      %dma_start3A_33 = arith.constant 0 : i32
      %dma_start3A_34 = tpu.memref_slice %arg4[%add3A_10, %dma_start3A_33] : memref<16384x256xf32, #tpu.memory_space<hbm>> -> memref<128x256xf32, #tpu.memory_space<hbm>>
      %dma_start3A_35 = arith.constant 0 : i32
      %dma_start3A_36 = tpu.memref_slice %arg4[%add3A_10, %dma_start3A_35] : memref<16384x256xf32, #tpu.memory_space<hbm>> -> memref<128x256xf32, #tpu.memory_space<hbm>>
      tpu.enqueue_dma source(%arg6 : memref<128x256xf32, #tpu.memory_space<vmem>>) target(%dma_start3A_36 : memref<128x256xf32, #tpu.memory_space<hbm>>) target_semaphore(%run_scoped3A : memref<!tpu.dma_semaphore, #tpu.memory_space<semaphore_mem>>)
      %dma_wait3A_37 = arith.constant 0 : i32
      %dma_wait3A_38 = tpu.memref_slice %arg4[%add3A_10, %dma_wait3A_37] : memref<16384x256xf32, #tpu.memory_space<hbm>> -> memref<128x256xf32, #tpu.memory_space<hbm>>
      %dma_wait3A_39 = arith.constant 0 : i32
      %dma_wait3A_40 = tpu.memref_slice %arg4[%add3A_10, %dma_wait3A_39] : memref<16384x256xf32, #tpu.memory_space<hbm>> -> memref<128x256xf32, #tpu.memory_space<hbm>>
      tpu.wait_dma2 semaphore(%run_scoped3A : memref<!tpu.dma_semaphore, #tpu.memory_space<semaphore_mem>>) src(%arg6 : memref<128x256xf32, #tpu.memory_space<vmem>>) dst(%dma_wait3A_40 : memref<128x256xf32, #tpu.memory_space<hbm>>)
      tpu.yield
    }) : () -> ()
    %add3A_17 = arith.constant 256 : i32
    %add3A_18 = arith.addi %mul3A_2, %add3A_17 : i32
    "tpu.region"() ({
      %run_scoped3A = tpu.sem_alloc : memref<!tpu.dma_semaphore, #tpu.memory_space<semaphore_mem>>
      %dma_start3A_33 = tpu.memref_slice %arg3[%add3A_18] : memref<16384xi32, #tpu.memory_space<hbm>> -> memref<128xi32, #tpu.memory_space<hbm>>
      %dma_start3A_34 = tpu.memref_slice %arg3[%add3A_18] : memref<16384xi32, #tpu.memory_space<hbm>> -> memref<128xi32, #tpu.memory_space<hbm>>
      tpu.enqueue_dma source(%dma_start3A_34 : memref<128xi32, #tpu.memory_space<hbm>>) target(%arg5 : memref<128xi32, #tpu.memory_space<vmem>>) target_semaphore(%run_scoped3A : memref<!tpu.dma_semaphore, #tpu.memory_space<semaphore_mem>>)
      %dma_wait3A_35 = tpu.memref_slice %arg3[%add3A_18] : memref<16384xi32, #tpu.memory_space<hbm>> -> memref<128xi32, #tpu.memory_space<hbm>>
      %dma_wait3A_36 = tpu.memref_slice %arg3[%add3A_18] : memref<16384xi32, #tpu.memory_space<hbm>> -> memref<128xi32, #tpu.memory_space<hbm>>
      tpu.wait_dma2 semaphore(%run_scoped3A : memref<!tpu.dma_semaphore, #tpu.memory_space<semaphore_mem>>) src(%dma_wait3A_36 : memref<128xi32, #tpu.memory_space<hbm>>) dst(%arg5 : memref<128xi32, #tpu.memory_space<vmem>>)
      tpu.yield
    }) : () -> ()
    %dma_start3A_19 = arith.constant 0 : i32
    %dma_start3A_20 = arith.constant 0 : i32
    %dma_start3A_21 = tpu.memref_slice %arg2[%dma_start3A_19, %dma_start3A_20] : memref<8192x256xf32, #tpu.memory_space<hbm>> -> memref<8192x256xf32, #tpu.memory_space<hbm>>
    tpu.enqueue_indirect_dma source(%dma_start3A_21 : memref<8192x256xf32, #tpu.memory_space<hbm>>) target(%arg6 : memref<128x256xf32, #tpu.memory_space<vmem>>) offsets(%arg5 : memref<128xi32, #tpu.memory_space<vmem>>) semaphore(%arg7 : memref<!tpu.dma_semaphore, #tpu.memory_space<semaphore_mem>>)
    %dma_wait3A_22 = arith.constant 0 : i32
    %dma_wait3A_23 = arith.constant 0 : i32
    %dma_wait3A_24 = tpu.memref_slice %arg2[%dma_wait3A_22, %dma_wait3A_23] : memref<8192x256xf32, #tpu.memory_space<hbm>> -> memref<8192x256xf32, #tpu.memory_space<hbm>>
    tpu.wait_indirect_dma semaphore(%arg7 : memref<!tpu.dma_semaphore, #tpu.memory_space<semaphore_mem>>) src(%dma_wait3A_24 : memref<8192x256xf32, #tpu.memory_space<hbm>>) dst(%arg6 : memref<128x256xf32, #tpu.memory_space<vmem>>)
    "tpu.region"() ({
      %run_scoped3A = tpu.sem_alloc : memref<!tpu.dma_semaphore, #tpu.memory_space<semaphore_mem>>
      %dma_start3A_33 = arith.constant 0 : i32
      %dma_start3A_34 = tpu.memref_slice %arg4[%add3A_18, %dma_start3A_33] : memref<16384x256xf32, #tpu.memory_space<hbm>> -> memref<128x256xf32, #tpu.memory_space<hbm>>
      %dma_start3A_35 = arith.constant 0 : i32
      %dma_start3A_36 = tpu.memref_slice %arg4[%add3A_18, %dma_start3A_35] : memref<16384x256xf32, #tpu.memory_space<hbm>> -> memref<128x256xf32, #tpu.memory_space<hbm>>
      tpu.enqueue_dma source(%arg6 : memref<128x256xf32, #tpu.memory_space<vmem>>) target(%dma_start3A_36 : memref<128x256xf32, #tpu.memory_space<hbm>>) target_semaphore(%run_scoped3A : memref<!tpu.dma_semaphore, #tpu.memory_space<semaphore_mem>>)
      %dma_wait3A_37 = arith.constant 0 : i32
      %dma_wait3A_38 = tpu.memref_slice %arg4[%add3A_18, %dma_wait3A_37] : memref<16384x256xf32, #tpu.memory_space<hbm>> -> memref<128x256xf32, #tpu.memory_space<hbm>>
      %dma_wait3A_39 = arith.constant 0 : i32
      %dma_wait3A_40 = tpu.memref_slice %arg4[%add3A_18, %dma_wait3A_39] : memref<16384x256xf32, #tpu.memory_space<hbm>> -> memref<128x256xf32, #tpu.memory_space<hbm>>
      tpu.wait_dma2 semaphore(%run_scoped3A : memref<!tpu.dma_semaphore, #tpu.memory_space<semaphore_mem>>) src(%arg6 : memref<128x256xf32, #tpu.memory_space<vmem>>) dst(%dma_wait3A_40 : memref<128x256xf32, #tpu.memory_space<hbm>>)
      tpu.yield
    }) : () -> ()
    %add3A_25 = arith.constant 384 : i32
    %add3A_26 = arith.addi %mul3A_2, %add3A_25 : i32
    "tpu.region"() ({
      %run_scoped3A = tpu.sem_alloc : memref<!tpu.dma_semaphore, #tpu.memory_space<semaphore_mem>>
      %dma_start3A_33 = tpu.memref_slice %arg3[%add3A_26] : memref<16384xi32, #tpu.memory_space<hbm>> -> memref<128xi32, #tpu.memory_space<hbm>>
      %dma_start3A_34 = tpu.memref_slice %arg3[%add3A_26] : memref<16384xi32, #tpu.memory_space<hbm>> -> memref<128xi32, #tpu.memory_space<hbm>>
      tpu.enqueue_dma source(%dma_start3A_34 : memref<128xi32, #tpu.memory_space<hbm>>) target(%arg5 : memref<128xi32, #tpu.memory_space<vmem>>) target_semaphore(%run_scoped3A : memref<!tpu.dma_semaphore, #tpu.memory_space<semaphore_mem>>)
      %dma_wait3A_35 = tpu.memref_slice %arg3[%add3A_26] : memref<16384xi32, #tpu.memory_space<hbm>> -> memref<128xi32, #tpu.memory_space<hbm>>
      %dma_wait3A_36 = tpu.memref_slice %arg3[%add3A_26] : memref<16384xi32, #tpu.memory_space<hbm>> -> memref<128xi32, #tpu.memory_space<hbm>>
      tpu.wait_dma2 semaphore(%run_scoped3A : memref<!tpu.dma_semaphore, #tpu.memory_space<semaphore_mem>>) src(%dma_wait3A_36 : memref<128xi32, #tpu.memory_space<hbm>>) dst(%arg5 : memref<128xi32, #tpu.memory_space<vmem>>)
      tpu.yield
    }) : () -> ()
    %dma_start3A_27 = arith.constant 0 : i32
    %dma_start3A_28 = arith.constant 0 : i32
    %dma_start3A_29 = tpu.memref_slice %arg2[%dma_start3A_27, %dma_start3A_28] : memref<8192x256xf32, #tpu.memory_space<hbm>> -> memref<8192x256xf32, #tpu.memory_space<hbm>>
    tpu.enqueue_indirect_dma source(%dma_start3A_29 : memref<8192x256xf32, #tpu.memory_space<hbm>>) target(%arg6 : memref<128x256xf32, #tpu.memory_space<vmem>>) offsets(%arg5 : memref<128xi32, #tpu.memory_space<vmem>>) semaphore(%arg7 : memref<!tpu.dma_semaphore, #tpu.memory_space<semaphore_mem>>)
    %dma_wait3A_30 = arith.constant 0 : i32
    %dma_wait3A_31 = arith.constant 0 : i32
    %dma_wait3A_32 = tpu.memref_slice %arg2[%dma_wait3A_30, %dma_wait3A_31] : memref<8192x256xf32, #tpu.memory_space<hbm>> -> memref<8192x256xf32, #tpu.memory_space<hbm>>
    tpu.wait_indirect_dma semaphore(%arg7 : memref<!tpu.dma_semaphore, #tpu.memory_space<semaphore_mem>>) src(%dma_wait3A_32 : memref<8192x256xf32, #tpu.memory_space<hbm>>) dst(%arg6 : memref<128x256xf32, #tpu.memory_space<vmem>>)
    "tpu.region"() ({
      %run_scoped3A = tpu.sem_alloc : memref<!tpu.dma_semaphore, #tpu.memory_space<semaphore_mem>>
      %dma_start3A_33 = arith.constant 0 : i32
      %dma_start3A_34 = tpu.memref_slice %arg4[%add3A_26, %dma_start3A_33] : memref<16384x256xf32, #tpu.memory_space<hbm>> -> memref<128x256xf32, #tpu.memory_space<hbm>>
      %dma_start3A_35 = arith.constant 0 : i32
      %dma_start3A_36 = tpu.memref_slice %arg4[%add3A_26, %dma_start3A_35] : memref<16384x256xf32, #tpu.memory_space<hbm>> -> memref<128x256xf32, #tpu.memory_space<hbm>>
      tpu.enqueue_dma source(%arg6 : memref<128x256xf32, #tpu.memory_space<vmem>>) target(%dma_start3A_36 : memref<128x256xf32, #tpu.memory_space<hbm>>) target_semaphore(%run_scoped3A : memref<!tpu.dma_semaphore, #tpu.memory_space<semaphore_mem>>)
      %dma_wait3A_37 = arith.constant 0 : i32
      %dma_wait3A_38 = tpu.memref_slice %arg4[%add3A_26, %dma_wait3A_37] : memref<16384x256xf32, #tpu.memory_space<hbm>> -> memref<128x256xf32, #tpu.memory_space<hbm>>
      %dma_wait3A_39 = arith.constant 0 : i32
      %dma_wait3A_40 = tpu.memref_slice %arg4[%add3A_26, %dma_wait3A_39] : memref<16384x256xf32, #tpu.memory_space<hbm>> -> memref<128x256xf32, #tpu.memory_space<hbm>>
      tpu.wait_dma2 semaphore(%run_scoped3A : memref<!tpu.dma_semaphore, #tpu.memory_space<semaphore_mem>>) src(%arg6 : memref<128x256xf32, #tpu.memory_space<vmem>>) dst(%dma_wait3A_40 : memref<128x256xf32, #tpu.memory_space<hbm>>)
      tpu.yield
    }) : () -> ()
    return
  }
}

module attributes {stable_mosaic.version = 14 : i64} {
  func.func @_dist_argmin_body(%arg0: i32, %arg1: memref<1x2048xf32, #tpu.memory_space<vmem>>, %arg2: memref<8192x1xf32, #tpu.memory_space<vmem>>, %arg3: memref<2048x256xf32, #tpu.memory_space<vmem>>, %arg4: memref<8192x256xf32, #tpu.memory_space<vmem>>, %arg5: memref<2048xi32, #tpu.memory_space<vmem>>, %arg6: memref<2048xf32, #tpu.memory_space<vmem>>, %arg7: memref<1024x2048xf32, #tpu.memory_space<vmem>>, %arg8: memref<1024x2048xf32, #tpu.memory_space<vmem>>) attributes {dimension_semantics = [#tpu.dimension_semantics<parallel>], iteration_bounds = array<i64: 8>, scalar_prefetch = 0 : i64, scratch_operands = 2 : i64, tpu.core_type = #tpu.core_type<tc>, window_params = [{transform_indices = @transform_0, window_bounds = array<i64: 1, 2048>}, {pipeline_mode = #tpu.pipeline_mode<synchronous>, transform_indices = @transform_1, window_bounds = array<i64: 8192, 1>}, {transform_indices = @transform_2, window_bounds = array<i64: 2048, 256>}, {pipeline_mode = #tpu.pipeline_mode<synchronous>, transform_indices = @transform_3, window_bounds = array<i64: 8192, 256>}, {transform_indices = @transform_4, window_bounds = array<i64: 2048>}, {transform_indices = @transform_5, window_bounds = array<i64: 2048>}]} {
    %get3A = arith.constant 0 : index
    %get3A_0 = arith.constant 0 : index
    %get3A_1 = vector.load %arg3[%get3A, %get3A_0] : memref<2048x256xf32, #tpu.memory_space<vmem>>, vector<2048x256xf32>
    %mul3A = arith.constant 2.000000e+00 : f32
    %mul3A_2 = vector.broadcast %mul3A : f32 to vector<2048x256xf32>
    %mul3A_3 = arith.mulf %get3A_1, %mul3A_2 : vector<2048x256xf32>
    %get3A_4 = arith.constant 0 : index
    %get3A_5 = arith.constant 0 : index
    %get3A_6 = vector.load %arg1[%get3A_4, %get3A_5] : memref<1x2048xf32, #tpu.memory_space<vmem>>, vector<1x2048xf32>
    %broadcast_in_dim3A = arith.constant 0x7F800000 : f32
    %broadcast_in_dim3A_7 = vector.broadcast %broadcast_in_dim3A : f32 to vector<8x2048xf32>
    %broadcast_in_dim3A_8 = arith.constant 0.000000e+00 : f32
    %broadcast_in_dim3A_9 = vector.broadcast %broadcast_in_dim3A_8 : f32 to vector<8x2048xf32>
    %get3A_10 = arith.constant 0 : index
    %get3A_11 = arith.constant 0 : index
    %get3A_12 = vector.load %arg4[%get3A_10, %get3A_11] : memref<8192x256xf32, #tpu.memory_space<vmem>>, vector<1024x256xf32>
    %dot_general3A = arith.constant dense<0.000000e+00> : vector<1024x2048xf32>
    %dot_general3A_13 = tpu.matmul %get3A_12, %mul3A_3, %dot_general3A {dimension_numbers = #tpu.dot_dimension_numbers<[1], [1], [0], [0], [0, 0, 1, 0], [], []>, transpose_lhs_hint = false} : vector<1024x256xf32>, vector<2048x256xf32>, vector<1024x2048xf32> -> vector<1024x2048xf32>
    %swap3A = arith.constant 0 : index
    %swap3A_14 = arith.constant 0 : index
    %swap3A_15 = vector.load %arg7[%swap3A, %swap3A_14] : memref<1024x2048xf32, #tpu.memory_space<vmem>>, vector<1024x2048xf32>
    tpu.vector_store %arg7[%swap3A, %swap3A_14], %dot_general3A_13 {strides = array<i32>} : memref<1024x2048xf32, #tpu.memory_space<vmem>>, vector<1024x2048xf32>,
    %get3A_16 = arith.constant 0 : index
    %get3A_17 = arith.constant 0 : index
    %get3A_18 = vector.load %arg2[%get3A_16, %get3A_17] : memref<8192x1xf32, #tpu.memory_space<vmem>>, vector<1024x1xf32>
    %add3A = vector.broadcast %get3A_6 : vector<1x2048xf32> to vector<1024x2048xf32>
    %add3A_19 = vector.broadcast %get3A_18 : vector<1024x1xf32> to vector<1024x2048xf32>
    %add3A_20 = arith.addf %add3A, %add3A_19 : vector<1024x2048xf32>
    %get3A_21 = arith.constant 0 : index
    %get3A_22 = arith.constant 0 : index
    %get3A_23 = vector.load %arg7[%get3A_21, %get3A_22] : memref<1024x2048xf32, #tpu.memory_space<vmem>>, vector<1024x2048xf32>
    %sub3A = arith.subf %add3A_20, %get3A_23 : vector<1024x2048xf32>
    %reshape3A = vector.shape_cast %sub3A : vector<1024x2048xf32> to vector<128x8x2048xf32>
    %reduce_min3A = arith.constant dense<0x7F800000> : vector<8x2048xf32>
    %reduce_min3A_24 = vector.multi_reduction <minimumf>, %reshape3A, %reduce_min3A [0] : vector<128x8x2048xf32> to vector<8x2048xf32>
    %iota3A = tpu.iota {dimensions = array<i32: 0>} : vector<128x8x2048xi32>
    %convert_element_type3A = arith.sitofp %iota3A : vector<128x8x2048xi32> to vector<128x8x2048xf32>
    %broadcast_in_dim3A_25 = vector.shape_cast %reduce_min3A_24 : vector<8x2048xf32> to vector<1x8x2048xf32>
    %eq3A = vector.broadcast %broadcast_in_dim3A_25 : vector<1x8x2048xf32> to vector<128x8x2048xf32>
    %eq3A_26 = arith.cmpf oeq, %reshape3A, %eq3A : vector<128x8x2048xf32>
    %jit3A = arith.constant 0x7F800000 : f32
    %broadcast_in_dim3A_27 = vector.broadcast %jit3A : f32 to vector<128x8x2048xf32>
    %select_n3A = arith.select %eq3A_26, %convert_element_type3A, %broadcast_in_dim3A_27 : vector<128x8x2048xi1>, vector<128x8x2048xf32>
    %reduce_min3A_28 = arith.constant dense<0x7F800000> : vector<8x2048xf32>
    %reduce_min3A_29 = vector.multi_reduction <minimumf>, %select_n3A, %reduce_min3A_28 [0] : vector<128x8x2048xf32> to vector<8x2048xf32>
    %add3A_30 = arith.constant 0.000000e+00 : f32
    %add3A_31 = vector.broadcast %add3A_30 : f32 to vector<8x2048xf32>
    %add3A_32 = arith.addf %reduce_min3A_29, %add3A_31 : vector<8x2048xf32>
    %lt3A = arith.cmpf olt, %reduce_min3A_24, %broadcast_in_dim3A_7 : vector<8x2048xf32>
    %eq3A_33 = arith.cmpf oeq, %reduce_min3A_24, %broadcast_in_dim3A_7 : vector<8x2048xf32>
    %lt3A_34 = arith.cmpf olt, %add3A_32, %broadcast_in_dim3A_9 : vector<8x2048xf32>
    %and3A = arith.andi %eq3A_33, %lt3A_34 : vector<8x2048xi1>
    %or3A = arith.ori %lt3A, %and3A : vector<8x2048xi1>
    %select_n3A_35 = arith.select %or3A, %reduce_min3A_24, %broadcast_in_dim3A_7 : vector<8x2048xi1>, vector<8x2048xf32>
    %select_n3A_36 = arith.select %or3A, %add3A_32, %broadcast_in_dim3A_9 : vector<8x2048xi1>, vector<8x2048xf32>
    %get3A_37 = arith.constant 1024 : index
    %get3A_38 = arith.constant 0 : index
    %get3A_39 = vector.load %arg4[%get3A_37, %get3A_38] : memref<8192x256xf32, #tpu.memory_space<vmem>>, vector<1024x256xf32>
    %dot_general3A_40 = arith.constant dense<0.000000e+00> : vector<1024x2048xf32>
    %dot_general3A_41 = tpu.matmul %get3A_39, %mul3A_3, %dot_general3A_40 {dimension_numbers = #tpu.dot_dimension_numbers<[1], [1], [0], [0], [0, 0, 1, 0], [], []>, transpose_lhs_hint = false} : vector<1024x256xf32>, vector<2048x256xf32>, vector<1024x2048xf32> -> vector<1024x2048xf32>
    %swap3A_42 = arith.constant 0 : index
    %swap3A_43 = arith.constant 0 : index
    %swap3A_44 = vector.load %arg8[%swap3A_42, %swap3A_43] : memref<1024x2048xf32, #tpu.memory_space<vmem>>, vector<1024x2048xf32>
    tpu.vector_store %arg8[%swap3A_42, %swap3A_43], %dot_general3A_41 {strides = array<i32>} : memref<1024x2048xf32, #tpu.memory_space<vmem>>, vector<1024x2048xf32>,
    %get3A_45 = arith.constant 1024 : index
    %get3A_46 = arith.constant 0 : index
    %get3A_47 = vector.load %arg2[%get3A_45, %get3A_46] : memref<8192x1xf32, #tpu.memory_space<vmem>>, vector<1024x1xf32>
    %add3A_48 = vector.broadcast %get3A_6 : vector<1x2048xf32> to vector<1024x2048xf32>
    %add3A_49 = vector.broadcast %get3A_47 : vector<1024x1xf32> to vector<1024x2048xf32>
    %add3A_50 = arith.addf %add3A_48, %add3A_49 : vector<1024x2048xf32>
    %get3A_51 = arith.constant 0 : index
    %get3A_52 = arith.constant 0 : index
    %get3A_53 = vector.load %arg8[%get3A_51, %get3A_52] : memref<1024x2048xf32, #tpu.memory_space<vmem>>, vector<1024x2048xf32>
    %sub3A_54 = arith.subf %add3A_50, %get3A_53 : vector<1024x2048xf32>
    %reshape3A_55 = vector.shape_cast %sub3A_54 : vector<1024x2048xf32> to vector<128x8x2048xf32>
    %reduce_min3A_56 = arith.constant dense<0x7F800000> : vector<8x2048xf32>
    %reduce_min3A_57 = vector.multi_reduction <minimumf>, %reshape3A_55, %reduce_min3A_56 [0] : vector<128x8x2048xf32> to vector<8x2048xf32>
    %iota3A_58 = tpu.iota {dimensions = array<i32: 0>} : vector<128x8x2048xi32>
    %convert_element_type3A_59 = arith.sitofp %iota3A_58 : vector<128x8x2048xi32> to vector<128x8x2048xf32>
    %broadcast_in_dim3A_60 = vector.shape_cast %reduce_min3A_57 : vector<8x2048xf32> to vector<1x8x2048xf32>
    %eq3A_61 = vector.broadcast %broadcast_in_dim3A_60 : vector<1x8x2048xf32> to vector<128x8x2048xf32>
    %eq3A_62 = arith.cmpf oeq, %reshape3A_55, %eq3A_61 : vector<128x8x2048xf32>
    %jit3A_63 = arith.constant 0x7F800000 : f32
    %broadcast_in_dim3A_64 = vector.broadcast %jit3A_63 : f32 to vector<128x8x2048xf32>
    %select_n3A_65 = arith.select %eq3A_62, %convert_element_type3A_59, %broadcast_in_dim3A_64 : vector<128x8x2048xi1>, vector<128x8x2048xf32>
    %reduce_min3A_66 = arith.constant dense<0x7F800000> : vector<8x2048xf32>
    %reduce_min3A_67 = vector.multi_reduction <minimumf>, %select_n3A_65, %reduce_min3A_66 [0] : vector<128x8x2048xf32> to vector<8x2048xf32>
    %add3A_68 = arith.constant 1.280000e+02 : f32
    %add3A_69 = vector.broadcast %add3A_68 : f32 to vector<8x2048xf32>
    %add3A_70 = arith.addf %reduce_min3A_67, %add3A_69 : vector<8x2048xf32>
    %lt3A_71 = arith.cmpf olt, %reduce_min3A_57, %select_n3A_35 : vector<8x2048xf32>
    %eq3A_72 = arith.cmpf oeq, %reduce_min3A_57, %select_n3A_35 : vector<8x2048xf32>
    %lt3A_73 = arith.cmpf olt, %add3A_70, %select_n3A_36 : vector<8x2048xf32>
    %and3A_74 = arith.andi %eq3A_72, %lt3A_73 : vector<8x2048xi1>
    %or3A_75 = arith.ori %lt3A_71, %and3A_74 : vector<8x2048xi1>
    %select_n3A_76 = arith.select %or3A_75, %reduce_min3A_57, %select_n3A_35 : vector<8x2048xi1>, vector<8x2048xf32>
    %select_n3A_77 = arith.select %or3A_75, %add3A_70, %select_n3A_36 : vector<8x2048xi1>, vector<8x2048xf32>
    %get3A_78 = arith.constant 2048 : index
    %get3A_79 = arith.constant 0 : index
    %get3A_80 = vector.load %arg4[%get3A_78, %get3A_79] : memref<8192x256xf32, #tpu.memory_space<vmem>>, vector<1024x256xf32>
    %dot_general3A_81 = arith.constant dense<0.000000e+00> : vector<1024x2048xf32>
    %dot_general3A_82 = tpu.matmul %get3A_80, %mul3A_3, %dot_general3A_81 {dimension_numbers = #tpu.dot_dimension_numbers<[1], [1], [0], [0], [0, 0, 1, 0], [], []>, transpose_lhs_hint = false} : vector<1024x256xf32>, vector<2048x256xf32>, vector<1024x2048xf32> -> vector<1024x2048xf32>
    %swap3A_83 = arith.constant 0 : index
    %swap3A_84 = arith.constant 0 : index
    %swap3A_85 = vector.load %arg7[%swap3A_83, %swap3A_84] : memref<1024x2048xf32, #tpu.memory_space<vmem>>, vector<1024x2048xf32>
    tpu.vector_store %arg7[%swap3A_83, %swap3A_84], %dot_general3A_82 {strides = array<i32>} : memref<1024x2048xf32, #tpu.memory_space<vmem>>, vector<1024x2048xf32>,
    %get3A_86 = arith.constant 2048 : index
    %get3A_87 = arith.constant 0 : index
    %get3A_88 = vector.load %arg2[%get3A_86, %get3A_87] : memref<8192x1xf32, #tpu.memory_space<vmem>>, vector<1024x1xf32>
    %add3A_89 = vector.broadcast %get3A_6 : vector<1x2048xf32> to vector<1024x2048xf32>
    %add3A_90 = vector.broadcast %get3A_88 : vector<1024x1xf32> to vector<1024x2048xf32>
    %add3A_91 = arith.addf %add3A_89, %add3A_90 : vector<1024x2048xf32>
    %get3A_92 = arith.constant 0 : index
    %get3A_93 = arith.constant 0 : index
    %get3A_94 = vector.load %arg7[%get3A_92, %get3A_93] : memref<1024x2048xf32, #tpu.memory_space<vmem>>, vector<1024x2048xf32>
    %sub3A_95 = arith.subf %add3A_91, %get3A_94 : vector<1024x2048xf32>
    %reshape3A_96 = vector.shape_cast %sub3A_95 : vector<1024x2048xf32> to vector<128x8x2048xf32>
    %slice3A = vector.extract_strided_slice %reshape3A_96 {offsets = [0, 0, 0], sizes = [86, 8, 2048], strides = [1, 1, 1]} : vector<128x8x2048xf32> to vector<86x8x2048xf32>
    %reduce_min3A_97 = arith.constant dense<0x7F800000> : vector<8x2048xf32>
    %reduce_min3A_98 = vector.multi_reduction <minimumf>, %slice3A, %reduce_min3A_97 [0] : vector<86x8x2048xf32> to vector<8x2048xf32>
    %iota3A_99 = tpu.iota {dimensions = array<i32: 0>} : vector<86x8x2048xi32>
    %convert_element_type3A_100 = arith.sitofp %iota3A_99 : vector<86x8x2048xi32> to vector<86x8x2048xf32>
    %broadcast_in_dim3A_101 = vector.shape_cast %reduce_min3A_98 : vector<8x2048xf32> to vector<1x8x2048xf32>
    %eq3A_102 = vector.broadcast %broadcast_in_dim3A_101 : vector<1x8x2048xf32> to vector<86x8x2048xf32>
    %eq3A_103 = arith.cmpf oeq, %slice3A, %eq3A_102 : vector<86x8x2048xf32>
    %jit3A_104 = arith.constant 0x7F800000 : f32
    %broadcast_in_dim3A_105 = vector.broadcast %jit3A_104 : f32 to vector<86x8x2048xf32>
    %select_n3A_106 = arith.select %eq3A_103, %convert_element_type3A_100, %broadcast_in_dim3A_105 : vector<86x8x2048xi1>, vector<86x8x2048xf32>
    %reduce_min3A_107 = arith.constant dense<0x7F800000> : vector<8x2048xf32>
    %reduce_min3A_108 = vector.multi_reduction <minimumf>, %select_n3A_106, %reduce_min3A_107 [0] : vector<86x8x2048xf32> to vector<8x2048xf32>
    %add3A_109 = arith.constant 2.560000e+02 : f32
    %add3A_110 = vector.broadcast %add3A_109 : f32 to vector<8x2048xf32>
    %add3A_111 = arith.addf %reduce_min3A_108, %add3A_110 : vector<8x2048xf32>
    %lt3A_112 = arith.cmpf olt, %reduce_min3A_98, %select_n3A_76 : vector<8x2048xf32>
    %eq3A_113 = arith.cmpf oeq, %reduce_min3A_98, %select_n3A_76 : vector<8x2048xf32>
    %lt3A_114 = arith.cmpf olt, %add3A_111, %select_n3A_77 : vector<8x2048xf32>
    %and3A_115 = arith.andi %eq3A_113, %lt3A_114 : vector<8x2048xi1>
    %or3A_116 = arith.ori %lt3A_112, %and3A_115 : vector<8x2048xi1>
    %select_n3A_117 = arith.select %or3A_116, %reduce_min3A_98, %select_n3A_76 : vector<8x2048xi1>, vector<8x2048xf32>
    %select_n3A_118 = arith.select %or3A_116, %add3A_111, %select_n3A_77 : vector<8x2048xi1>, vector<8x2048xf32>
    %slice3A_119 = vector.extract_strided_slice %reshape3A_96 {offsets = [86, 0, 0], sizes = [42, 8, 2048], strides = [1, 1, 1]} : vector<128x8x2048xf32> to vector<42x8x2048xf32>
    %reduce_min3A_120 = arith.constant dense<0x7F800000> : vector<8x2048xf32>
    %reduce_min3A_121 = vector.multi_reduction <minimumf>, %slice3A_119, %reduce_min3A_120 [0] : vector<42x8x2048xf32> to vector<8x2048xf32>
    %iota3A_122 = tpu.iota {dimensions = array<i32: 0>} : vector<42x8x2048xi32>
    %convert_element_type3A_123 = arith.sitofp %iota3A_122 : vector<42x8x2048xi32> to vector<42x8x2048xf32>
    %broadcast_in_dim3A_124 = vector.shape_cast %reduce_min3A_121 : vector<8x2048xf32> to vector<1x8x2048xf32>
    %eq3A_125 = vector.broadcast %broadcast_in_dim3A_124 : vector<1x8x2048xf32> to vector<42x8x2048xf32>
    %eq3A_126 = arith.cmpf oeq, %slice3A_119, %eq3A_125 : vector<42x8x2048xf32>
    %jit3A_127 = arith.constant 0x7F800000 : f32
    %broadcast_in_dim3A_128 = vector.broadcast %jit3A_127 : f32 to vector<42x8x2048xf32>
    %select_n3A_129 = arith.select %eq3A_126, %convert_element_type3A_123, %broadcast_in_dim3A_128 : vector<42x8x2048xi1>, vector<42x8x2048xf32>
    %reduce_min3A_130 = arith.constant dense<0x7F800000> : vector<8x2048xf32>
    %reduce_min3A_131 = vector.multi_reduction <minimumf>, %select_n3A_129, %reduce_min3A_130 [0] : vector<42x8x2048xf32> to vector<8x2048xf32>
    %add3A_132 = arith.constant 3.420000e+02 : f32
    %add3A_133 = vector.broadcast %add3A_132 : f32 to vector<8x2048xf32>
    %add3A_134 = arith.addf %reduce_min3A_131, %add3A_133 : vector<8x2048xf32>
    %lt3A_135 = arith.cmpf olt, %reduce_min3A_121, %broadcast_in_dim3A_7 : vector<8x2048xf32>
    %eq3A_136 = arith.cmpf oeq, %reduce_min3A_121, %broadcast_in_dim3A_7 : vector<8x2048xf32>
    %lt3A_137 = arith.cmpf olt, %add3A_134, %broadcast_in_dim3A_9 : vector<8x2048xf32>
    %and3A_138 = arith.andi %eq3A_136, %lt3A_137 : vector<8x2048xi1>
    %or3A_139 = arith.ori %lt3A_135, %and3A_138 : vector<8x2048xi1>
    %select_n3A_140 = arith.select %or3A_139, %reduce_min3A_121, %broadcast_in_dim3A_7 : vector<8x2048xi1>, vector<8x2048xf32>
    %select_n3A_141 = arith.select %or3A_139, %add3A_134, %broadcast_in_dim3A_9 : vector<8x2048xi1>, vector<8x2048xf32>
    %get3A_142 = arith.constant 3072 : index
    %get3A_143 = arith.constant 0 : index
    %get3A_144 = vector.load %arg4[%get3A_142, %get3A_143] : memref<8192x256xf32, #tpu.memory_space<vmem>>, vector<1024x256xf32>
    %dot_general3A_145 = arith.constant dense<0.000000e+00> : vector<1024x2048xf32>
    %dot_general3A_146 = tpu.matmul %get3A_144, %mul3A_3, %dot_general3A_145 {dimension_numbers = #tpu.dot_dimension_numbers<[1], [1], [0], [0], [0, 0, 1, 0], [], []>, transpose_lhs_hint = false} : vector<1024x256xf32>, vector<2048x256xf32>, vector<1024x2048xf32> -> vector<1024x2048xf32>
    %swap3A_147 = arith.constant 0 : index
    %swap3A_148 = arith.constant 0 : index
    %swap3A_149 = vector.load %arg8[%swap3A_147, %swap3A_148] : memref<1024x2048xf32, #tpu.memory_space<vmem>>, vector<1024x2048xf32>
    tpu.vector_store %arg8[%swap3A_147, %swap3A_148], %dot_general3A_146 {strides = array<i32>} : memref<1024x2048xf32, #tpu.memory_space<vmem>>, vector<1024x2048xf32>,
    %get3A_150 = arith.constant 3072 : index
    %get3A_151 = arith.constant 0 : index
    %get3A_152 = vector.load %arg2[%get3A_150, %get3A_151] : memref<8192x1xf32, #tpu.memory_space<vmem>>, vector<1024x1xf32>
    %add3A_153 = vector.broadcast %get3A_6 : vector<1x2048xf32> to vector<1024x2048xf32>
    %add3A_154 = vector.broadcast %get3A_152 : vector<1024x1xf32> to vector<1024x2048xf32>
    %add3A_155 = arith.addf %add3A_153, %add3A_154 : vector<1024x2048xf32>
    %get3A_156 = arith.constant 0 : index
    %get3A_157 = arith.constant 0 : index
    %get3A_158 = vector.load %arg8[%get3A_156, %get3A_157] : memref<1024x2048xf32, #tpu.memory_space<vmem>>, vector<1024x2048xf32>
    %sub3A_159 = arith.subf %add3A_155, %get3A_158 : vector<1024x2048xf32>
    %reshape3A_160 = vector.shape_cast %sub3A_159 : vector<1024x2048xf32> to vector<128x8x2048xf32>
    %reduce_min3A_161 = arith.constant dense<0x7F800000> : vector<8x2048xf32>
    %reduce_min3A_162 = vector.multi_reduction <minimumf>, %reshape3A_160, %reduce_min3A_161 [0] : vector<128x8x2048xf32> to vector<8x2048xf32>
    %iota3A_163 = tpu.iota {dimensions = array<i32: 0>} : vector<128x8x2048xi32>
    %convert_element_type3A_164 = arith.sitofp %iota3A_163 : vector<128x8x2048xi32> to vector<128x8x2048xf32>
    %broadcast_in_dim3A_165 = vector.shape_cast %reduce_min3A_162 : vector<8x2048xf32> to vector<1x8x2048xf32>
    %eq3A_166 = vector.broadcast %broadcast_in_dim3A_165 : vector<1x8x2048xf32> to vector<128x8x2048xf32>
    %eq3A_167 = arith.cmpf oeq, %reshape3A_160, %eq3A_166 : vector<128x8x2048xf32>
    %jit3A_168 = arith.constant 0x7F800000 : f32
    %broadcast_in_dim3A_169 = vector.broadcast %jit3A_168 : f32 to vector<128x8x2048xf32>
    %select_n3A_170 = arith.select %eq3A_167, %convert_element_type3A_164, %broadcast_in_dim3A_169 : vector<128x8x2048xi1>, vector<128x8x2048xf32>
    %reduce_min3A_171 = arith.constant dense<0x7F800000> : vector<8x2048xf32>
    %reduce_min3A_172 = vector.multi_reduction <minimumf>, %select_n3A_170, %reduce_min3A_171 [0] : vector<128x8x2048xf32> to vector<8x2048xf32>
    %add3A_173 = arith.constant 3.840000e+02 : f32
    %add3A_174 = vector.broadcast %add3A_173 : f32 to vector<8x2048xf32>
    %add3A_175 = arith.addf %reduce_min3A_172, %add3A_174 : vector<8x2048xf32>
    %lt3A_176 = arith.cmpf olt, %reduce_min3A_162, %select_n3A_140 : vector<8x2048xf32>
    %eq3A_177 = arith.cmpf oeq, %reduce_min3A_162, %select_n3A_140 : vector<8x2048xf32>
    %lt3A_178 = arith.cmpf olt, %add3A_175, %select_n3A_141 : vector<8x2048xf32>
    %and3A_179 = arith.andi %eq3A_177, %lt3A_178 : vector<8x2048xi1>
    %or3A_180 = arith.ori %lt3A_176, %and3A_179 : vector<8x2048xi1>
    %select_n3A_181 = arith.select %or3A_180, %reduce_min3A_162, %select_n3A_140 : vector<8x2048xi1>, vector<8x2048xf32>
    %select_n3A_182 = arith.select %or3A_180, %add3A_175, %select_n3A_141 : vector<8x2048xi1>, vector<8x2048xf32>
    %get3A_183 = arith.constant 4096 : index
    %get3A_184 = arith.constant 0 : index
    %get3A_185 = vector.load %arg4[%get3A_183, %get3A_184] : memref<8192x256xf32, #tpu.memory_space<vmem>>, vector<1024x256xf32>
    %dot_general3A_186 = arith.constant dense<0.000000e+00> : vector<1024x2048xf32>
    %dot_general3A_187 = tpu.matmul %get3A_185, %mul3A_3, %dot_general3A_186 {dimension_numbers = #tpu.dot_dimension_numbers<[1], [1], [0], [0], [0, 0, 1, 0], [], []>, transpose_lhs_hint = false} : vector<1024x256xf32>, vector<2048x256xf32>, vector<1024x2048xf32> -> vector<1024x2048xf32>
    %swap3A_188 = arith.constant 0 : index
    %swap3A_189 = arith.constant 0 : index
    %swap3A_190 = vector.load %arg7[%swap3A_188, %swap3A_189] : memref<1024x2048xf32, #tpu.memory_space<vmem>>, vector<1024x2048xf32>
    tpu.vector_store %arg7[%swap3A_188, %swap3A_189], %dot_general3A_187 {strides = array<i32>} : memref<1024x2048xf32, #tpu.memory_space<vmem>>, vector<1024x2048xf32>,
    %get3A_191 = arith.constant 4096 : index
    %get3A_192 = arith.constant 0 : index
    %get3A_193 = vector.load %arg2[%get3A_191, %get3A_192] : memref<8192x1xf32, #tpu.memory_space<vmem>>, vector<1024x1xf32>
    %add3A_194 = vector.broadcast %get3A_6 : vector<1x2048xf32> to vector<1024x2048xf32>
    %add3A_195 = vector.broadcast %get3A_193 : vector<1024x1xf32> to vector<1024x2048xf32>
    %add3A_196 = arith.addf %add3A_194, %add3A_195 : vector<1024x2048xf32>
    %get3A_197 = arith.constant 0 : index
    %get3A_198 = arith.constant 0 : index
    %get3A_199 = vector.load %arg7[%get3A_197, %get3A_198] : memref<1024x2048xf32, #tpu.memory_space<vmem>>, vector<1024x2048xf32>
    %sub3A_200 = arith.subf %add3A_196, %get3A_199 : vector<1024x2048xf32>
    %reshape3A_201 = vector.shape_cast %sub3A_200 : vector<1024x2048xf32> to vector<128x8x2048xf32>
    %reduce_min3A_202 = arith.constant dense<0x7F800000> : vector<8x2048xf32>
    %reduce_min3A_203 = vector.multi_reduction <minimumf>, %reshape3A_201, %reduce_min3A_202 [0] : vector<128x8x2048xf32> to vector<8x2048xf32>
    %iota3A_204 = tpu.iota {dimensions = array<i32: 0>} : vector<128x8x2048xi32>
    %convert_element_type3A_205 = arith.sitofp %iota3A_204 : vector<128x8x2048xi32> to vector<128x8x2048xf32>
    %broadcast_in_dim3A_206 = vector.shape_cast %reduce_min3A_203 : vector<8x2048xf32> to vector<1x8x2048xf32>
    %eq3A_207 = vector.broadcast %broadcast_in_dim3A_206 : vector<1x8x2048xf32> to vector<128x8x2048xf32>
    %eq3A_208 = arith.cmpf oeq, %reshape3A_201, %eq3A_207 : vector<128x8x2048xf32>
    %jit3A_209 = arith.constant 0x7F800000 : f32
    %broadcast_in_dim3A_210 = vector.broadcast %jit3A_209 : f32 to vector<128x8x2048xf32>
    %select_n3A_211 = arith.select %eq3A_208, %convert_element_type3A_205, %broadcast_in_dim3A_210 : vector<128x8x2048xi1>, vector<128x8x2048xf32>
    %reduce_min3A_212 = arith.constant dense<0x7F800000> : vector<8x2048xf32>
    %reduce_min3A_213 = vector.multi_reduction <minimumf>, %select_n3A_211, %reduce_min3A_212 [0] : vector<128x8x2048xf32> to vector<8x2048xf32>
    %add3A_214 = arith.constant 5.120000e+02 : f32
    %add3A_215 = vector.broadcast %add3A_214 : f32 to vector<8x2048xf32>
    %add3A_216 = arith.addf %reduce_min3A_213, %add3A_215 : vector<8x2048xf32>
    %lt3A_217 = arith.cmpf olt, %reduce_min3A_203, %select_n3A_181 : vector<8x2048xf32>
    %eq3A_218 = arith.cmpf oeq, %reduce_min3A_203, %select_n3A_181 : vector<8x2048xf32>
    %lt3A_219 = arith.cmpf olt, %add3A_216, %select_n3A_182 : vector<8x2048xf32>
    %and3A_220 = arith.andi %eq3A_218, %lt3A_219 : vector<8x2048xi1>
    %or3A_221 = arith.ori %lt3A_217, %and3A_220 : vector<8x2048xi1>
    %select_n3A_222 = arith.select %or3A_221, %reduce_min3A_203, %select_n3A_181 : vector<8x2048xi1>, vector<8x2048xf32>
    %select_n3A_223 = arith.select %or3A_221, %add3A_216, %select_n3A_182 : vector<8x2048xi1>, vector<8x2048xf32>
    %get3A_224 = arith.constant 5120 : index
    %get3A_225 = arith.constant 0 : index
    %get3A_226 = vector.load %arg4[%get3A_224, %get3A_225] : memref<8192x256xf32, #tpu.memory_space<vmem>>, vector<1024x256xf32>
    %dot_general3A_227 = arith.constant dense<0.000000e+00> : vector<1024x2048xf32>
    %dot_general3A_228 = tpu.matmul %get3A_226, %mul3A_3, %dot_general3A_227 {dimension_numbers = #tpu.dot_dimension_numbers<[1], [1], [0], [0], [0, 0, 1, 0], [], []>, transpose_lhs_hint = false} : vector<1024x256xf32>, vector<2048x256xf32>, vector<1024x2048xf32> -> vector<1024x2048xf32>
    %swap3A_229 = arith.constant 0 : index
    %swap3A_230 = arith.constant 0 : index
    %swap3A_231 = vector.load %arg8[%swap3A_229, %swap3A_230] : memref<1024x2048xf32, #tpu.memory_space<vmem>>, vector<1024x2048xf32>
    tpu.vector_store %arg8[%swap3A_229, %swap3A_230], %dot_general3A_228 {strides = array<i32>} : memref<1024x2048xf32, #tpu.memory_space<vmem>>, vector<1024x2048xf32>,
    %get3A_232 = arith.constant 5120 : index
    %get3A_233 = arith.constant 0 : index
    %get3A_234 = vector.load %arg2[%get3A_232, %get3A_233] : memref<8192x1xf32, #tpu.memory_space<vmem>>, vector<1024x1xf32>
    %add3A_235 = vector.broadcast %get3A_6 : vector<1x2048xf32> to vector<1024x2048xf32>
    %add3A_236 = vector.broadcast %get3A_234 : vector<1024x1xf32> to vector<1024x2048xf32>
    %add3A_237 = arith.addf %add3A_235, %add3A_236 : vector<1024x2048xf32>
    %get3A_238 = arith.constant 0 : index
    %get3A_239 = arith.constant 0 : index
    %get3A_240 = vector.load %arg8[%get3A_238, %get3A_239] : memref<1024x2048xf32, #tpu.memory_space<vmem>>, vector<1024x2048xf32>
    %sub3A_241 = arith.subf %add3A_237, %get3A_240 : vector<1024x2048xf32>
    %reshape3A_242 = vector.shape_cast %sub3A_241 : vector<1024x2048xf32> to vector<128x8x2048xf32>
    %slice3A_243 = vector.extract_strided_slice %reshape3A_242 {offsets = [0, 0, 0], sizes = [44, 8, 2048], strides = [1, 1, 1]} : vector<128x8x2048xf32> to vector<44x8x2048xf32>
    %reduce_min3A_244 = arith.constant dense<0x7F800000> : vector<8x2048xf32>
    %reduce_min3A_245 = vector.multi_reduction <minimumf>, %slice3A_243, %reduce_min3A_244 [0] : vector<44x8x2048xf32> to vector<8x2048xf32>
    %iota3A_246 = tpu.iota {dimensions = array<i32: 0>} : vector<44x8x2048xi32>
    %convert_element_type3A_247 = arith.sitofp %iota3A_246 : vector<44x8x2048xi32> to vector<44x8x2048xf32>
    %broadcast_in_dim3A_248 = vector.shape_cast %reduce_min3A_245 : vector<8x2048xf32> to vector<1x8x2048xf32>
    %eq3A_249 = vector.broadcast %broadcast_in_dim3A_248 : vector<1x8x2048xf32> to vector<44x8x2048xf32>
    %eq3A_250 = arith.cmpf oeq, %slice3A_243, %eq3A_249 : vector<44x8x2048xf32>
    %jit3A_251 = arith.constant 0x7F800000 : f32
    %broadcast_in_dim3A_252 = vector.broadcast %jit3A_251 : f32 to vector<44x8x2048xf32>
    %select_n3A_253 = arith.select %eq3A_250, %convert_element_type3A_247, %broadcast_in_dim3A_252 : vector<44x8x2048xi1>, vector<44x8x2048xf32>
    %reduce_min3A_254 = arith.constant dense<0x7F800000> : vector<8x2048xf32>
    %reduce_min3A_255 = vector.multi_reduction <minimumf>, %select_n3A_253, %reduce_min3A_254 [0] : vector<44x8x2048xf32> to vector<8x2048xf32>
    %add3A_256 = arith.constant 6.400000e+02 : f32
    %add3A_257 = vector.broadcast %add3A_256 : f32 to vector<8x2048xf32>
    %add3A_258 = arith.addf %reduce_min3A_255, %add3A_257 : vector<8x2048xf32>
    %lt3A_259 = arith.cmpf olt, %reduce_min3A_245, %select_n3A_222 : vector<8x2048xf32>
    %eq3A_260 = arith.cmpf oeq, %reduce_min3A_245, %select_n3A_222 : vector<8x2048xf32>
    %lt3A_261 = arith.cmpf olt, %add3A_258, %select_n3A_223 : vector<8x2048xf32>
    %and3A_262 = arith.andi %eq3A_260, %lt3A_261 : vector<8x2048xi1>
    %or3A_263 = arith.ori %lt3A_259, %and3A_262 : vector<8x2048xi1>
    %select_n3A_264 = arith.select %or3A_263, %reduce_min3A_245, %select_n3A_222 : vector<8x2048xi1>, vector<8x2048xf32>
    %select_n3A_265 = arith.select %or3A_263, %add3A_258, %select_n3A_223 : vector<8x2048xi1>, vector<8x2048xf32>
    %slice3A_266 = vector.extract_strided_slice %reshape3A_242 {offsets = [44, 0, 0], sizes = [84, 8, 2048], strides = [1, 1, 1]} : vector<128x8x2048xf32> to vector<84x8x2048xf32>
    %reduce_min3A_267 = arith.constant dense<0x7F800000> : vector<8x2048xf32>
    %reduce_min3A_268 = vector.multi_reduction <minimumf>, %slice3A_266, %reduce_min3A_267 [0] : vector<84x8x2048xf32> to vector<8x2048xf32>
    %iota3A_269 = tpu.iota {dimensions = array<i32: 0>} : vector<84x8x2048xi32>
    %convert_element_type3A_270 = arith.sitofp %iota3A_269 : vector<84x8x2048xi32> to vector<84x8x2048xf32>
    %broadcast_in_dim3A_271 = vector.shape_cast %reduce_min3A_268 : vector<8x2048xf32> to vector<1x8x2048xf32>
    %eq3A_272 = vector.broadcast %broadcast_in_dim3A_271 : vector<1x8x2048xf32> to vector<84x8x2048xf32>
    %eq3A_273 = arith.cmpf oeq, %slice3A_266, %eq3A_272 : vector<84x8x2048xf32>
    %jit3A_274 = arith.constant 0x7F800000 : f32
    %broadcast_in_dim3A_275 = vector.broadcast %jit3A_274 : f32 to vector<84x8x2048xf32>
    %select_n3A_276 = arith.select %eq3A_273, %convert_element_type3A_270, %broadcast_in_dim3A_275 : vector<84x8x2048xi1>, vector<84x8x2048xf32>
    %reduce_min3A_277 = arith.constant dense<0x7F800000> : vector<8x2048xf32>
    %reduce_min3A_278 = vector.multi_reduction <minimumf>, %select_n3A_276, %reduce_min3A_277 [0] : vector<84x8x2048xf32> to vector<8x2048xf32>
    %add3A_279 = arith.constant 6.840000e+02 : f32
    %add3A_280 = vector.broadcast %add3A_279 : f32 to vector<8x2048xf32>
    %add3A_281 = arith.addf %reduce_min3A_278, %add3A_280 : vector<8x2048xf32>
    %lt3A_282 = arith.cmpf olt, %reduce_min3A_268, %broadcast_in_dim3A_7 : vector<8x2048xf32>
    %eq3A_283 = arith.cmpf oeq, %reduce_min3A_268, %broadcast_in_dim3A_7 : vector<8x2048xf32>
    %lt3A_284 = arith.cmpf olt, %add3A_281, %broadcast_in_dim3A_9 : vector<8x2048xf32>
    %and3A_285 = arith.andi %eq3A_283, %lt3A_284 : vector<8x2048xi1>
    %or3A_286 = arith.ori %lt3A_282, %and3A_285 : vector<8x2048xi1>
    %select_n3A_287 = arith.select %or3A_286, %reduce_min3A_268, %broadcast_in_dim3A_7 : vector<8x2048xi1>, vector<8x2048xf32>
    %select_n3A_288 = arith.select %or3A_286, %add3A_281, %broadcast_in_dim3A_9 : vector<8x2048xi1>, vector<8x2048xf32>
    %get3A_289 = arith.constant 6144 : index
    %get3A_290 = arith.constant 0 : index
    %get3A_291 = vector.load %arg4[%get3A_289, %get3A_290] : memref<8192x256xf32, #tpu.memory_space<vmem>>, vector<1024x256xf32>
    %dot_general3A_292 = arith.constant dense<0.000000e+00> : vector<1024x2048xf32>
    %dot_general3A_293 = tpu.matmul %get3A_291, %mul3A_3, %dot_general3A_292 {dimension_numbers = #tpu.dot_dimension_numbers<[1], [1], [0], [0], [0, 0, 1, 0], [], []>, transpose_lhs_hint = false} : vector<1024x256xf32>, vector<2048x256xf32>, vector<1024x2048xf32> -> vector<1024x2048xf32>
    %swap3A_294 = arith.constant 0 : index
    %swap3A_295 = arith.constant 0 : index
    %swap3A_296 = vector.load %arg7[%swap3A_294, %swap3A_295] : memref<1024x2048xf32, #tpu.memory_space<vmem>>, vector<1024x2048xf32>
    tpu.vector_store %arg7[%swap3A_294, %swap3A_295], %dot_general3A_293 {strides = array<i32>} : memref<1024x2048xf32, #tpu.memory_space<vmem>>, vector<1024x2048xf32>,
    %get3A_297 = arith.constant 6144 : index
    %get3A_298 = arith.constant 0 : index
    %get3A_299 = vector.load %arg2[%get3A_297, %get3A_298] : memref<8192x1xf32, #tpu.memory_space<vmem>>, vector<1024x1xf32>
    %add3A_300 = vector.broadcast %get3A_6 : vector<1x2048xf32> to vector<1024x2048xf32>
    %add3A_301 = vector.broadcast %get3A_299 : vector<1024x1xf32> to vector<1024x2048xf32>
    %add3A_302 = arith.addf %add3A_300, %add3A_301 : vector<1024x2048xf32>
    %get3A_303 = arith.constant 0 : index
    %get3A_304 = arith.constant 0 : index
    %get3A_305 = vector.load %arg7[%get3A_303, %get3A_304] : memref<1024x2048xf32, #tpu.memory_space<vmem>>, vector<1024x2048xf32>
    %sub3A_306 = arith.subf %add3A_302, %get3A_305 : vector<1024x2048xf32>
    %reshape3A_307 = vector.shape_cast %sub3A_306 : vector<1024x2048xf32> to vector<128x8x2048xf32>
    %reduce_min3A_308 = arith.constant dense<0x7F800000> : vector<8x2048xf32>
    %reduce_min3A_309 = vector.multi_reduction <minimumf>, %reshape3A_307, %reduce_min3A_308 [0] : vector<128x8x2048xf32> to vector<8x2048xf32>
    %iota3A_310 = tpu.iota {dimensions = array<i32: 0>} : vector<128x8x2048xi32>
    %convert_element_type3A_311 = arith.sitofp %iota3A_310 : vector<128x8x2048xi32> to vector<128x8x2048xf32>
    %broadcast_in_dim3A_312 = vector.shape_cast %reduce_min3A_309 : vector<8x2048xf32> to vector<1x8x2048xf32>
    %eq3A_313 = vector.broadcast %broadcast_in_dim3A_312 : vector<1x8x2048xf32> to vector<128x8x2048xf32>
    %eq3A_314 = arith.cmpf oeq, %reshape3A_307, %eq3A_313 : vector<128x8x2048xf32>
    %jit3A_315 = arith.constant 0x7F800000 : f32
    %broadcast_in_dim3A_316 = vector.broadcast %jit3A_315 : f32 to vector<128x8x2048xf32>
    %select_n3A_317 = arith.select %eq3A_314, %convert_element_type3A_311, %broadcast_in_dim3A_316 : vector<128x8x2048xi1>, vector<128x8x2048xf32>
    %reduce_min3A_318 = arith.constant dense<0x7F800000> : vector<8x2048xf32>
    %reduce_min3A_319 = vector.multi_reduction <minimumf>, %select_n3A_317, %reduce_min3A_318 [0] : vector<128x8x2048xf32> to vector<8x2048xf32>
    %add3A_320 = arith.constant 7.680000e+02 : f32
    %add3A_321 = vector.broadcast %add3A_320 : f32 to vector<8x2048xf32>
    %add3A_322 = arith.addf %reduce_min3A_319, %add3A_321 : vector<8x2048xf32>
    %lt3A_323 = arith.cmpf olt, %reduce_min3A_309, %select_n3A_287 : vector<8x2048xf32>
    %eq3A_324 = arith.cmpf oeq, %reduce_min3A_309, %select_n3A_287 : vector<8x2048xf32>
    %lt3A_325 = arith.cmpf olt, %add3A_322, %select_n3A_288 : vector<8x2048xf32>
    %and3A_326 = arith.andi %eq3A_324, %lt3A_325 : vector<8x2048xi1>
    %or3A_327 = arith.ori %lt3A_323, %and3A_326 : vector<8x2048xi1>
    %select_n3A_328 = arith.select %or3A_327, %reduce_min3A_309, %select_n3A_287 : vector<8x2048xi1>, vector<8x2048xf32>
    %select_n3A_329 = arith.select %or3A_327, %add3A_322, %select_n3A_288 : vector<8x2048xi1>, vector<8x2048xf32>
    %get3A_330 = arith.constant 7168 : index
    %get3A_331 = arith.constant 0 : index
    %get3A_332 = vector.load %arg4[%get3A_330, %get3A_331] : memref<8192x256xf32, #tpu.memory_space<vmem>>, vector<1024x256xf32>
    %dot_general3A_333 = arith.constant dense<0.000000e+00> : vector<1024x2048xf32>
    %dot_general3A_334 = tpu.matmul %get3A_332, %mul3A_3, %dot_general3A_333 {dimension_numbers = #tpu.dot_dimension_numbers<[1], [1], [0], [0], [0, 0, 1, 0], [], []>, transpose_lhs_hint = false} : vector<1024x256xf32>, vector<2048x256xf32>, vector<1024x2048xf32> -> vector<1024x2048xf32>
    %swap3A_335 = arith.constant 0 : index
    %swap3A_336 = arith.constant 0 : index
    %swap3A_337 = vector.load %arg8[%swap3A_335, %swap3A_336] : memref<1024x2048xf32, #tpu.memory_space<vmem>>, vector<1024x2048xf32>
    tpu.vector_store %arg8[%swap3A_335, %swap3A_336], %dot_general3A_334 {strides = array<i32>} : memref<1024x2048xf32, #tpu.memory_space<vmem>>, vector<1024x2048xf32>,
    %get3A_338 = arith.constant 7168 : index
    %get3A_339 = arith.constant 0 : index
    %get3A_340 = vector.load %arg2[%get3A_338, %get3A_339] : memref<8192x1xf32, #tpu.memory_space<vmem>>, vector<1024x1xf32>
    %add3A_341 = vector.broadcast %get3A_6 : vector<1x2048xf32> to vector<1024x2048xf32>
    %add3A_342 = vector.broadcast %get3A_340 : vector<1024x1xf32> to vector<1024x2048xf32>
    %add3A_343 = arith.addf %add3A_341, %add3A_342 : vector<1024x2048xf32>
    %get3A_344 = arith.constant 0 : index
    %get3A_345 = arith.constant 0 : index
    %get3A_346 = vector.load %arg8[%get3A_344, %get3A_345] : memref<1024x2048xf32, #tpu.memory_space<vmem>>, vector<1024x2048xf32>
    %sub3A_347 = arith.subf %add3A_343, %get3A_346 : vector<1024x2048xf32>
    %reshape3A_348 = vector.shape_cast %sub3A_347 : vector<1024x2048xf32> to vector<128x8x2048xf32>
    %reduce_min3A_349 = arith.constant dense<0x7F800000> : vector<8x2048xf32>
    %reduce_min3A_350 = vector.multi_reduction <minimumf>, %reshape3A_348, %reduce_min3A_349 [0] : vector<128x8x2048xf32> to vector<8x2048xf32>
    %iota3A_351 = tpu.iota {dimensions = array<i32: 0>} : vector<128x8x2048xi32>
    %convert_element_type3A_352 = arith.sitofp %iota3A_351 : vector<128x8x2048xi32> to vector<128x8x2048xf32>
    %broadcast_in_dim3A_353 = vector.shape_cast %reduce_min3A_350 : vector<8x2048xf32> to vector<1x8x2048xf32>
    %eq3A_354 = vector.broadcast %broadcast_in_dim3A_353 : vector<1x8x2048xf32> to vector<128x8x2048xf32>
    %eq3A_355 = arith.cmpf oeq, %reshape3A_348, %eq3A_354 : vector<128x8x2048xf32>
    %jit3A_356 = arith.constant 0x7F800000 : f32
    %broadcast_in_dim3A_357 = vector.broadcast %jit3A_356 : f32 to vector<128x8x2048xf32>
    %select_n3A_358 = arith.select %eq3A_355, %convert_element_type3A_352, %broadcast_in_dim3A_357 : vector<128x8x2048xi1>, vector<128x8x2048xf32>
    %reduce_min3A_359 = arith.constant dense<0x7F800000> : vector<8x2048xf32>
    %reduce_min3A_360 = vector.multi_reduction <minimumf>, %select_n3A_358, %reduce_min3A_359 [0] : vector<128x8x2048xf32> to vector<8x2048xf32>
    %add3A_361 = arith.constant 8.960000e+02 : f32
    %add3A_362 = vector.broadcast %add3A_361 : f32 to vector<8x2048xf32>
    %add3A_363 = arith.addf %reduce_min3A_360, %add3A_362 : vector<8x2048xf32>
    %lt3A_364 = arith.cmpf olt, %reduce_min3A_350, %select_n3A_328 : vector<8x2048xf32>
    %eq3A_365 = arith.cmpf oeq, %reduce_min3A_350, %select_n3A_328 : vector<8x2048xf32>
    %lt3A_366 = arith.cmpf olt, %add3A_363, %select_n3A_329 : vector<8x2048xf32>
    %and3A_367 = arith.andi %eq3A_365, %lt3A_366 : vector<8x2048xi1>
    %or3A_368 = arith.ori %lt3A_364, %and3A_367 : vector<8x2048xi1>
    %select_n3A_369 = arith.select %or3A_368, %reduce_min3A_350, %select_n3A_328 : vector<8x2048xi1>, vector<8x2048xf32>
    %select_n3A_370 = arith.select %or3A_368, %add3A_363, %select_n3A_329 : vector<8x2048xi1>, vector<8x2048xf32>
    %iota3A_371 = tpu.iota {dimensions = array<i32: 0>} : vector<8x2048xi32>
    %convert_element_type3A_372 = arith.sitofp %iota3A_371 : vector<8x2048xi32> to vector<8x2048xf32>
    %mul3A_373 = arith.constant 8.000000e+00 : f32
    %mul3A_374 = vector.broadcast %mul3A_373 : f32 to vector<8x2048xf32>
    %mul3A_375 = arith.mulf %select_n3A_118, %mul3A_374 : vector<8x2048xf32>
    %add3A_376 = arith.addf %mul3A_375, %convert_element_type3A_372 : vector<8x2048xf32>
    %slice3A_377 = vector.extract_strided_slice %select_n3A_117 {offsets = [0, 0], sizes = [4, 2048], strides = [1, 1]} : vector<8x2048xf32> to vector<4x2048xf32>
    %slice3A_378 = vector.extract_strided_slice %select_n3A_117 {offsets = [4, 0], sizes = [4, 2048], strides = [1, 1]} : vector<8x2048xf32> to vector<4x2048xf32>
    %slice3A_379 = vector.extract_strided_slice %add3A_376 {offsets = [0, 0], sizes = [4, 2048], strides = [1, 1]} : vector<8x2048xf32> to vector<4x2048xf32>
    %slice3A_380 = vector.extract_strided_slice %add3A_376 {offsets = [4, 0], sizes = [4, 2048], strides = [1, 1]} : vector<8x2048xf32> to vector<4x2048xf32>
    %lt3A_381 = arith.cmpf olt, %slice3A_378, %slice3A_377 : vector<4x2048xf32>
    %eq3A_382 = arith.cmpf oeq, %slice3A_378, %slice3A_377 : vector<4x2048xf32>
    %lt3A_383 = arith.cmpf olt, %slice3A_380, %slice3A_379 : vector<4x2048xf32>
    %and3A_384 = arith.andi %eq3A_382, %lt3A_383 : vector<4x2048xi1>
    %or3A_385 = arith.ori %lt3A_381, %and3A_384 : vector<4x2048xi1>
    %select_n3A_386 = arith.select %or3A_385, %slice3A_378, %slice3A_377 : vector<4x2048xi1>, vector<4x2048xf32>
    %select_n3A_387 = arith.select %or3A_385, %slice3A_380, %slice3A_379 : vector<4x2048xi1>, vector<4x2048xf32>
    %slice3A_388 = vector.extract_strided_slice %select_n3A_386 {offsets = [0, 0], sizes = [2, 2048], strides = [1, 1]} : vector<4x2048xf32> to vector<2x2048xf32>
    %slice3A_389 = vector.extract_strided_slice %select_n3A_386 {offsets = [2, 0], sizes = [2, 2048], strides = [1, 1]} : vector<4x2048xf32> to vector<2x2048xf32>
    %slice3A_390 = vector.extract_strided_slice %select_n3A_387 {offsets = [0, 0], sizes = [2, 2048], strides = [1, 1]} : vector<4x2048xf32> to vector<2x2048xf32>
    %slice3A_391 = vector.extract_strided_slice %select_n3A_387 {offsets = [2, 0], sizes = [2, 2048], strides = [1, 1]} : vector<4x2048xf32> to vector<2x2048xf32>
    %lt3A_392 = arith.cmpf olt, %slice3A_389, %slice3A_388 : vector<2x2048xf32>
    %eq3A_393 = arith.cmpf oeq, %slice3A_389, %slice3A_388 : vector<2x2048xf32>
    %lt3A_394 = arith.cmpf olt, %slice3A_391, %slice3A_390 : vector<2x2048xf32>
    %and3A_395 = arith.andi %eq3A_393, %lt3A_394 : vector<2x2048xi1>
    %or3A_396 = arith.ori %lt3A_392, %and3A_395 : vector<2x2048xi1>
    %select_n3A_397 = arith.select %or3A_396, %slice3A_389, %slice3A_388 : vector<2x2048xi1>, vector<2x2048xf32>
    %select_n3A_398 = arith.select %or3A_396, %slice3A_391, %slice3A_390 : vector<2x2048xi1>, vector<2x2048xf32>
    %slice3A_399 = vector.extract_strided_slice %select_n3A_397 {offsets = [0, 0], sizes = [1, 2048], strides = [1, 1]} : vector<2x2048xf32> to vector<1x2048xf32>
    %slice3A_400 = vector.extract_strided_slice %select_n3A_397 {offsets = [1, 0], sizes = [1, 2048], strides = [1, 1]} : vector<2x2048xf32> to vector<1x2048xf32>
    %slice3A_401 = vector.extract_strided_slice %select_n3A_398 {offsets = [0, 0], sizes = [1, 2048], strides = [1, 1]} : vector<2x2048xf32> to vector<1x2048xf32>
    %slice3A_402 = vector.extract_strided_slice %select_n3A_398 {offsets = [1, 0], sizes = [1, 2048], strides = [1, 1]} : vector<2x2048xf32> to vector<1x2048xf32>
    %lt3A_403 = arith.cmpf olt, %slice3A_400, %slice3A_399 : vector<1x2048xf32>
    %eq3A_404 = arith.cmpf oeq, %slice3A_400, %slice3A_399 : vector<1x2048xf32>
    %lt3A_405 = arith.cmpf olt, %slice3A_402, %slice3A_401 : vector<1x2048xf32>
    %and3A_406 = arith.andi %eq3A_404, %lt3A_405 : vector<1x2048xi1>
    %or3A_407 = arith.ori %lt3A_403, %and3A_406 : vector<1x2048xi1>
    %select_n3A_408 = arith.select %or3A_407, %slice3A_400, %slice3A_399 : vector<1x2048xi1>, vector<1x2048xf32>
    %select_n3A_409 = arith.select %or3A_407, %slice3A_402, %slice3A_401 : vector<1x2048xi1>, vector<1x2048xf32>
    %mul3A_410 = arith.constant 8.000000e+00 : f32
    %mul3A_411 = vector.broadcast %mul3A_410 : f32 to vector<8x2048xf32>
    %mul3A_412 = arith.mulf %select_n3A_265, %mul3A_411 : vector<8x2048xf32>
    %add3A_413 = arith.addf %mul3A_412, %convert_element_type3A_372 : vector<8x2048xf32>
    %slice3A_414 = vector.extract_strided_slice %select_n3A_264 {offsets = [0, 0], sizes = [4, 2048], strides = [1, 1]} : vector<8x2048xf32> to vector<4x2048xf32>
    %slice3A_415 = vector.extract_strided_slice %select_n3A_264 {offsets = [4, 0], sizes = [4, 2048], strides = [1, 1]} : vector<8x2048xf32> to vector<4x2048xf32>
    %slice3A_416 = vector.extract_strided_slice %add3A_413 {offsets = [0, 0], sizes = [4, 2048], strides = [1, 1]} : vector<8x2048xf32> to vector<4x2048xf32>
    %slice3A_417 = vector.extract_strided_slice %add3A_413 {offsets = [4, 0], sizes = [4, 2048], strides = [1, 1]} : vector<8x2048xf32> to vector<4x2048xf32>
    %lt3A_418 = arith.cmpf olt, %slice3A_415, %slice3A_414 : vector<4x2048xf32>
    %eq3A_419 = arith.cmpf oeq, %slice3A_415, %slice3A_414 : vector<4x2048xf32>
    %lt3A_420 = arith.cmpf olt, %slice3A_417, %slice3A_416 : vector<4x2048xf32>
    %and3A_421 = arith.andi %eq3A_419, %lt3A_420 : vector<4x2048xi1>
    %or3A_422 = arith.ori %lt3A_418, %and3A_421 : vector<4x2048xi1>
    %select_n3A_423 = arith.select %or3A_422, %slice3A_415, %slice3A_414 : vector<4x2048xi1>, vector<4x2048xf32>
    %select_n3A_424 = arith.select %or3A_422, %slice3A_417, %slice3A_416 : vector<4x2048xi1>, vector<4x2048xf32>
    %slice3A_425 = vector.extract_strided_slice %select_n3A_423 {offsets = [0, 0], sizes = [2, 2048], strides = [1, 1]} : vector<4x2048xf32> to vector<2x2048xf32>
    %slice3A_426 = vector.extract_strided_slice %select_n3A_423 {offsets = [2, 0], sizes = [2, 2048], strides = [1, 1]} : vector<4x2048xf32> to vector<2x2048xf32>
    %slice3A_427 = vector.extract_strided_slice %select_n3A_424 {offsets = [0, 0], sizes = [2, 2048], strides = [1, 1]} : vector<4x2048xf32> to vector<2x2048xf32>
    %slice3A_428 = vector.extract_strided_slice %select_n3A_424 {offsets = [2, 0], sizes = [2, 2048], strides = [1, 1]} : vector<4x2048xf32> to vector<2x2048xf32>
    %lt3A_429 = arith.cmpf olt, %slice3A_426, %slice3A_425 : vector<2x2048xf32>
    %eq3A_430 = arith.cmpf oeq, %slice3A_426, %slice3A_425 : vector<2x2048xf32>
    %lt3A_431 = arith.cmpf olt, %slice3A_428, %slice3A_427 : vector<2x2048xf32>
    %and3A_432 = arith.andi %eq3A_430, %lt3A_431 : vector<2x2048xi1>
    %or3A_433 = arith.ori %lt3A_429, %and3A_432 : vector<2x2048xi1>
    %select_n3A_434 = arith.select %or3A_433, %slice3A_426, %slice3A_425 : vector<2x2048xi1>, vector<2x2048xf32>
    %select_n3A_435 = arith.select %or3A_433, %slice3A_428, %slice3A_427 : vector<2x2048xi1>, vector<2x2048xf32>
    %slice3A_436 = vector.extract_strided_slice %select_n3A_434 {offsets = [0, 0], sizes = [1, 2048], strides = [1, 1]} : vector<2x2048xf32> to vector<1x2048xf32>
    %slice3A_437 = vector.extract_strided_slice %select_n3A_434 {offsets = [1, 0], sizes = [1, 2048], strides = [1, 1]} : vector<2x2048xf32> to vector<1x2048xf32>
    %slice3A_438 = vector.extract_strided_slice %select_n3A_435 {offsets = [0, 0], sizes = [1, 2048], strides = [1, 1]} : vector<2x2048xf32> to vector<1x2048xf32>
    %slice3A_439 = vector.extract_strided_slice %select_n3A_435 {offsets = [1, 0], sizes = [1, 2048], strides = [1, 1]} : vector<2x2048xf32> to vector<1x2048xf32>
    %lt3A_440 = arith.cmpf olt, %slice3A_437, %slice3A_436 : vector<1x2048xf32>
    %eq3A_441 = arith.cmpf oeq, %slice3A_437, %slice3A_436 : vector<1x2048xf32>
    %lt3A_442 = arith.cmpf olt, %slice3A_439, %slice3A_438 : vector<1x2048xf32>
    %and3A_443 = arith.andi %eq3A_441, %lt3A_442 : vector<1x2048xi1>
    %or3A_444 = arith.ori %lt3A_440, %and3A_443 : vector<1x2048xi1>
    %select_n3A_445 = arith.select %or3A_444, %slice3A_437, %slice3A_436 : vector<1x2048xi1>, vector<1x2048xf32>
    %select_n3A_446 = arith.select %or3A_444, %slice3A_439, %slice3A_438 : vector<1x2048xi1>, vector<1x2048xf32>
    %mul3A_447 = arith.constant 8.000000e+00 : f32
    %mul3A_448 = vector.broadcast %mul3A_447 : f32 to vector<8x2048xf32>
    %mul3A_449 = arith.mulf %select_n3A_370, %mul3A_448 : vector<8x2048xf32>
    %add3A_450 = arith.addf %mul3A_449, %convert_element_type3A_372 : vector<8x2048xf32>
    %slice3A_451 = vector.extract_strided_slice %select_n3A_369 {offsets = [0, 0], sizes = [4, 2048], strides = [1, 1]} : vector<8x2048xf32> to vector<4x2048xf32>
    %slice3A_452 = vector.extract_strided_slice %select_n3A_369 {offsets = [4, 0], sizes = [4, 2048], strides = [1, 1]} : vector<8x2048xf32> to vector<4x2048xf32>
    %slice3A_453 = vector.extract_strided_slice %add3A_450 {offsets = [0, 0], sizes = [4, 2048], strides = [1, 1]} : vector<8x2048xf32> to vector<4x2048xf32>
    %slice3A_454 = vector.extract_strided_slice %add3A_450 {offsets = [4, 0], sizes = [4, 2048], strides = [1, 1]} : vector<8x2048xf32> to vector<4x2048xf32>
    %lt3A_455 = arith.cmpf olt, %slice3A_452, %slice3A_451 : vector<4x2048xf32>
    %eq3A_456 = arith.cmpf oeq, %slice3A_452, %slice3A_451 : vector<4x2048xf32>
    %lt3A_457 = arith.cmpf olt, %slice3A_454, %slice3A_453 : vector<4x2048xf32>
    %and3A_458 = arith.andi %eq3A_456, %lt3A_457 : vector<4x2048xi1>
    %or3A_459 = arith.ori %lt3A_455, %and3A_458 : vector<4x2048xi1>
    %select_n3A_460 = arith.select %or3A_459, %slice3A_452, %slice3A_451 : vector<4x2048xi1>, vector<4x2048xf32>
    %select_n3A_461 = arith.select %or3A_459, %slice3A_454, %slice3A_453 : vector<4x2048xi1>, vector<4x2048xf32>
    %slice3A_462 = vector.extract_strided_slice %select_n3A_460 {offsets = [0, 0], sizes = [2, 2048], strides = [1, 1]} : vector<4x2048xf32> to vector<2x2048xf32>
    %slice3A_463 = vector.extract_strided_slice %select_n3A_460 {offsets = [2, 0], sizes = [2, 2048], strides = [1, 1]} : vector<4x2048xf32> to vector<2x2048xf32>
    %slice3A_464 = vector.extract_strided_slice %select_n3A_461 {offsets = [0, 0], sizes = [2, 2048], strides = [1, 1]} : vector<4x2048xf32> to vector<2x2048xf32>
    %slice3A_465 = vector.extract_strided_slice %select_n3A_461 {offsets = [2, 0], sizes = [2, 2048], strides = [1, 1]} : vector<4x2048xf32> to vector<2x2048xf32>
    %lt3A_466 = arith.cmpf olt, %slice3A_463, %slice3A_462 : vector<2x2048xf32>
    %eq3A_467 = arith.cmpf oeq, %slice3A_463, %slice3A_462 : vector<2x2048xf32>
    %lt3A_468 = arith.cmpf olt, %slice3A_465, %slice3A_464 : vector<2x2048xf32>
    %and3A_469 = arith.andi %eq3A_467, %lt3A_468 : vector<2x2048xi1>
    %or3A_470 = arith.ori %lt3A_466, %and3A_469 : vector<2x2048xi1>
    %select_n3A_471 = arith.select %or3A_470, %slice3A_463, %slice3A_462 : vector<2x2048xi1>, vector<2x2048xf32>
    %select_n3A_472 = arith.select %or3A_470, %slice3A_465, %slice3A_464 : vector<2x2048xi1>, vector<2x2048xf32>
    %slice3A_473 = vector.extract_strided_slice %select_n3A_471 {offsets = [0, 0], sizes = [1, 2048], strides = [1, 1]} : vector<2x2048xf32> to vector<1x2048xf32>
    %slice3A_474 = vector.extract_strided_slice %select_n3A_471 {offsets = [1, 0], sizes = [1, 2048], strides = [1, 1]} : vector<2x2048xf32> to vector<1x2048xf32>
    %slice3A_475 = vector.extract_strided_slice %select_n3A_472 {offsets = [0, 0], sizes = [1, 2048], strides = [1, 1]} : vector<2x2048xf32> to vector<1x2048xf32>
    %slice3A_476 = vector.extract_strided_slice %select_n3A_472 {offsets = [1, 0], sizes = [1, 2048], strides = [1, 1]} : vector<2x2048xf32> to vector<1x2048xf32>
    %lt3A_477 = arith.cmpf olt, %slice3A_474, %slice3A_473 : vector<1x2048xf32>
    %eq3A_478 = arith.cmpf oeq, %slice3A_474, %slice3A_473 : vector<1x2048xf32>
    %lt3A_479 = arith.cmpf olt, %slice3A_476, %slice3A_475 : vector<1x2048xf32>
    %and3A_480 = arith.andi %eq3A_478, %lt3A_479 : vector<1x2048xi1>
    %or3A_481 = arith.ori %lt3A_477, %and3A_480 : vector<1x2048xi1>
    %select_n3A_482 = arith.select %or3A_481, %slice3A_474, %slice3A_473 : vector<1x2048xi1>, vector<1x2048xf32>
    %select_n3A_483 = arith.select %or3A_481, %slice3A_476, %slice3A_475 : vector<1x2048xi1>, vector<1x2048xf32>
    %bitcast_convert_type3A = tpu.bitcast %select_n3A_408 : vector<1x2048xf32> -> vector<1x2048xi32>
    %add3A_484 = arith.constant 32767 : i32
    %add3A_485 = vector.broadcast %add3A_484 : i32 to vector<1x2048xi32>
    %add3A_486 = arith.addi %bitcast_convert_type3A, %add3A_485 : vector<1x2048xi32>
    %shift_right_logical3A = arith.constant 16 : i32
    %shift_right_logical3A_487 = vector.broadcast %shift_right_logical3A : i32 to vector<1x2048xi32>
    %shift_right_logical3A_488 = arith.shrui %bitcast_convert_type3A, %shift_right_logical3A_487 : vector<1x2048xi32>
    %and3A_489 = arith.constant 1 : i32
    %and3A_490 = vector.broadcast %and3A_489 : i32 to vector<1x2048xi32>
    %and3A_491 = arith.andi %shift_right_logical3A_488, %and3A_490 : vector<1x2048xi32>
    %add3A_492 = arith.addi %add3A_486, %and3A_491 : vector<1x2048xi32>
    %and3A_493 = arith.constant -65536 : i32
    %and3A_494 = vector.broadcast %and3A_493 : i32 to vector<1x2048xi32>
    %and3A_495 = arith.andi %add3A_492, %and3A_494 : vector<1x2048xi32>
    %bitcast_convert_type3A_496 = tpu.bitcast %and3A_495 : vector<1x2048xi32> -> vector<1x2048xf32>
    %lt3A_497 = arith.cmpf olt, %select_n3A_445, %bitcast_convert_type3A_496 : vector<1x2048xf32>
    %bitcast_convert_type3A_498 = tpu.bitcast %select_n3A_445 : vector<1x2048xf32> -> vector<1x2048xi32>
    %add3A_499 = arith.constant 32767 : i32
    %add3A_500 = vector.broadcast %add3A_499 : i32 to vector<1x2048xi32>
    %add3A_501 = arith.addi %bitcast_convert_type3A_498, %add3A_500 : vector<1x2048xi32>
    %shift_right_logical3A_502 = arith.constant 16 : i32
    %shift_right_logical3A_503 = vector.broadcast %shift_right_logical3A_502 : i32 to vector<1x2048xi32>
    %shift_right_logical3A_504 = arith.shrui %bitcast_convert_type3A_498, %shift_right_logical3A_503 : vector<1x2048xi32>
    %and3A_505 = arith.constant 1 : i32
    %and3A_506 = vector.broadcast %and3A_505 : i32 to vector<1x2048xi32>
    %and3A_507 = arith.andi %shift_right_logical3A_504, %and3A_506 : vector<1x2048xi32>
    %add3A_508 = arith.addi %add3A_501, %and3A_507 : vector<1x2048xi32>
    %and3A_509 = arith.constant -65536 : i32
    %and3A_510 = vector.broadcast %and3A_509 : i32 to vector<1x2048xi32>
    %and3A_511 = arith.andi %add3A_508, %and3A_510 : vector<1x2048xi32>
    %bitcast_convert_type3A_512 = tpu.bitcast %and3A_511 : vector<1x2048xi32> -> vector<1x2048xf32>
    %select_n3A_513 = arith.select %lt3A_497, %bitcast_convert_type3A_512, %bitcast_convert_type3A_496 : vector<1x2048xi1>, vector<1x2048xf32>
    %select_n3A_514 = arith.select %lt3A_497, %select_n3A_446, %select_n3A_409 : vector<1x2048xi1>, vector<1x2048xf32>
    %select_n3A_515 = arith.select %lt3A_497, %select_n3A_445, %select_n3A_408 : vector<1x2048xi1>, vector<1x2048xf32>
    %lt3A_516 = arith.cmpf olt, %select_n3A_482, %select_n3A_513 : vector<1x2048xf32>
    %select_n3A_517 = arith.select %lt3A_516, %select_n3A_483, %select_n3A_514 : vector<1x2048xi1>, vector<1x2048xf32>
    %select_n3A_518 = arith.select %lt3A_516, %select_n3A_482, %select_n3A_515 : vector<1x2048xi1>, vector<1x2048xf32>
    %convert_element_type3A_519 = arith.fptosi %select_n3A_517 : vector<1x2048xf32> to vector<1x2048xi32>
    %reshape3A_520 = vector.shape_cast %convert_element_type3A_519 : vector<1x2048xi32> to vector<2048xi32>
    %swap3A_521 = arith.constant 0 : index
    %swap3A_522 = vector.load %arg5[%swap3A_521] : memref<2048xi32, #tpu.memory_space<vmem>>, vector<2048xi32>
    tpu.vector_store %arg5[%swap3A_521], %reshape3A_520 {strides = array<i32>} : memref<2048xi32, #tpu.memory_space<vmem>>, vector<2048xi32>,
    %reshape3A_523 = vector.shape_cast %select_n3A_518 : vector<1x2048xf32> to vector<2048xf32>
    %swap3A_524 = arith.constant 0 : index
    %swap3A_525 = vector.load %arg6[%swap3A_524] : memref<2048xf32, #tpu.memory_space<vmem>>, vector<2048xf32>
    tpu.vector_store %arg6[%swap3A_524], %reshape3A_523 {strides = array<i32>} : memref<2048xf32, #tpu.memory_space<vmem>>, vector<2048xf32>,
    return
  }
  func.func @transform_0(%arg0: i32) -> (i32, i32) {
    %c0_i32 = arith.constant 0 : i32
    %c0_i32_0 = arith.constant 0 : i32
    return %c0_i32, %arg0 : i32, i32
  }
  func.func @transform_1(%arg0: i32) -> (i32, i32) {
    %c0_i32 = arith.constant 0 : i32
    %c0_i32_0 = arith.constant 0 : i32
    %c0_i32_1 = arith.constant 0 : i32
    return %c0_i32, %c0_i32_0 : i32, i32
  }
  func.func @transform_2(%arg0: i32) -> (i32, i32) {
    %c0_i32 = arith.constant 0 : i32
    %c0_i32_0 = arith.constant 0 : i32
    return %arg0, %c0_i32 : i32, i32
  }
  func.func @transform_3(%arg0: i32) -> (i32, i32) {
    %c0_i32 = arith.constant 0 : i32
    %c0_i32_0 = arith.constant 0 : i32
    %c0_i32_1 = arith.constant 0 : i32
    return %c0_i32, %c0_i32_0 : i32, i32
  }
  func.func @transform_4(%arg0: i32) -> i32 {
    %c0_i32 = arith.constant 0 : i32
    return %arg0 : i32
  }
  func.func @transform_5(%arg0: i32) -> i32 {
    %c0_i32 = arith.constant 0 : i32
    return %arg0 : i32
  }
}

</mosaic_0001>

<sc_bundles>
// kernel: kernel.4.cloned.1.call-start
scs
__scs_entry_jumppad:
0x0: {  	(pc) =	sbr.rel $0x88, $3  }
0x1: {  	(tag) =	ssettag $0x0;
	lr =	simm.s32 $0x1  }
0x2: {  	[smem:$0x3F9F] =	sst lr;
	_ =	strace $0xD0000000  }
0x3: {  	_ = 	snop  }
0x4: {  	_ = 	snop  }
0x5: {  	_ = 	snop  }
0x6: {  	_ = 	snop  }
0x7: {  	_ = 	snop  }
__scs_overlays_trampoline_lowered:
0x8: {  	[smem:$0x3FAE] =	sst s0  }
0x9: {  	[smem:$0x3FAF] =	sst s1  }
0xa: {  	[smem:$0x3FB0] =	sst s2  }
0xb: {  	[smem:$0x3FB1] =	sst s3  }
0xc: {  	[smem:$0x3FB2] =	sst s4  }
0xd: {  	[smem:$0x3FB3] =	sst s5  }
0xe: {  	[smem:$0x3FB4] =	sst s6  }
0xf: {  	[smem:$0x3FB5] =	sst s7  }
0x10: {  	[smem:$0x3FB6] =	sst s8  }
0x11: {  	[smem:$0x3FB7] =	sst s9;
	s0 =	simm.s32 @!p0 $0x0  }
0x12: {  	s1 =	sld [smem:$0x3F9D];
	s0 =	simm.s32 @p0 $0x1  }
0x13: {  	[smem:$0x3FB8] =	sst s0;
	s0 =	simm.s32 @!p1 $0x0  }
0x14: {  	s2 =	sld [smem:$0x3F9C];
	s0 =	simm.s32 @p1 $0x1  }
0x15: {  	[smem:$0x3FB9] =	sst s0;
	s0 =	simm.s32 @!p2 $0x0  }
0x16: {  	s3 =	sld [smem:$0x3FDB];
	s0 =	simm.s32 @p2 $0x1  }
0x17: {  	s4 =	simm.s32 $0x1BF5;
	[smem:$0x3FBB] =	sst s0  }
0x18: {  	s0 =	sld [smem:$0x3F9E];
	_ =	swait.ge [sflag:s4], $0x0  }
0x19: {  	s7 =	sld [smem:$0x3F9F]  }
0x1a: {  	s8 =	sadd.s32 $0xFFFFE003, lr  }
0x1b: {  	s9 =	sadd.s32 $0xFFFFFEF7, lr;
	s5 =	simm.s32 $0xFFFFFFFF;
	p2 =	slt.u32 s8, $0xFFFFF086  }
0x1c: {  	p1 =	slt.u32 s9, $0xF7A;
	s5 =	simm.s32 @!p2 $0x0  }
0x1d: {  	s5 =	simm.s32 @p1 $0x1;
	p0 =	seq.s32 s7, s2  }
0x1e: {  	s7 =	smul.u32 @!p0 $0xF7A, s2;
	p2 =	seq.s32 @!p0 s5, $0x0  }
0x1f: {  	s9 =	smul.u32 $0xF7A, s1;
	s8 =	simm.s32 @!p0 $0x1BF5;
	p2 =	por !p2, p0  }
0x20: {  	[sflag:s8] =	ssyncset.s32 @!p0 $0xFFFFF086;
	s6 =	sadd.s32 @!p0 s3, s7;
	s7 =	simm.s32 @!p0 $0x108  }
0x21: {  	s3 =	sadd.s32 s3, s9;
	s6 =	sadd.s32 @!p0 $0x88, s6;
	s7 =	simm.s32 @p2 $0x1082  }
0x22: {  	[simem:s7], [sflag:s8] =	dma.local @!p0 [hbm:s6], $0xF7A  }
0x23: {  	s9 =	sor.u32 $0xD0000000, s2;
	s6 =	simm.s32 $0x108;
	_ =	swait.ge @!p0 [sflag:s8], $0x0  }
0x24: {  	s3 =	sadd.s32 $0x88, s3;
	s6 =	simm.s32 @!p1 $0x1082;
	[sflag:s4] =	ssyncset.s32 $0xFFFFF086  }
0x25: {  	[simem:s6], [sflag:s4] =	dma.local [hbm:s3], $0xF7A  }
0x26: {  	[smem:$0x3F9F] =	sst s1;
	(tag) =	ssettag s2;
	_ =	strace s9  }
0x27: {  	s1 =	sld [smem:$0x3FAF]  }
0x28: {  	s2 =	sld [smem:$0x3FB0]  }
0x29: {  	s4 =	sld [smem:$0x3FB2]  }
0x2a: {  	p0 =	seq.s32 s5, $0x0;
	s5 =	sld [smem:$0x3FB3]  }
0x2b: {  	s6 =	sld [smem:$0x3FB4]  }
0x2c: {  	s7 =	sld [smem:$0x3FB5]  }
0x2d: {  	s3 =	simm.s32 $0x108;
	s8 =	sld [smem:$0x3FB6]  }
0x2e: {  	s3 =	simm.s32 @!p0 $0x1082;
	s9 =	sld [smem:$0x3FB7]  }
0x2f: {  	lr =	sadd.s32 s0, s3;
	s0 =	sld [smem:$0x3FAE]  }
0x30: {  	s3 =	sld [smem:$0x3FB1]  }
0x31: {  	[smem:$0x3FBA] =	sst s10  }
0x32: {  	s10 =	sld [smem:$0x3FB8];
	_ =	sdelay $0x3  }
0x33: {  	p0 =	seq.s32 s10, $0x1;
	s10 =	sld [smem:$0x3FBA];
	_ =	sdelay $0x3  }
0x34: {  	[smem:$0x3FBA] =	sst s10  }
0x35: {  	s10 =	sld [smem:$0x3FB9];
	_ =	sdelay $0x3  }
0x36: {  	p1 =	seq.s32 s10, $0x1;
	s10 =	sld [smem:$0x3FBA];
	_ =	sdelay $0x3  }
0x37: {  	[smem:$0x3FBA] =	sst s10  }
0x38: {  	s10 =	sld [smem:$0x3FBB]  }
0x39: {  	_ = 	snop;
	(pc) =	sbr.ind lr, $3  }
0x3a: {  	_ = 	snop  }
0x3b: {  	_ = 	snop  }
0x3c: {  	p2 =	seq.s32 s10, $0x1;
	s10 =	sld [smem:$0x3FBA]  }
0x3d: {  	_ =	shalt  }
0x3e: {  	_ =	shalt  }
0x3f: {  	_ =	shalt  }
0x40: {  	_ =	shalt  }
0x41: {  	_ =	shalt  }
0x42: {  	_ =	shalt  }
0x43: {  	_ =	shalt  }
0x44: {  	_ =	shalt  }
0x45: {  	_ =	shalt  }
0x46: {  	_ =	shalt  }
0x47: {  	_ =	shalt  }
0x48: {  	_ =	shalt  }
0x49: {  	_ =	shalt  }
0x4a: {  	_ =	shalt  }
0x4b: {  	_ =	shalt  }
0x4c: {  	_ =	shalt  }
0x4d: {  	_ =	shalt  }
0x4e: {  	_ =	shalt  }
0x4f: {  	_ =	shalt  }
0x50: {  	_ =	shalt  }
0x51: {  	_ =	shalt  }
0x52: {  	_ =	shalt  }
0x53: {  	_ =	shalt  }
0x54: {  	_ =	shalt  }
0x55: {  	_ =	shalt  }
0x56: {  	_ =	shalt  }
0x57: {  	_ =	shalt  }
0x58: {  	_ =	shalt  }
0x59: {  	_ =	shalt  }
0x5a: {  	_ =	shalt  }
0x5b: {  	_ =	shalt  }
0x5c: {  	_ =	shalt  }
0x5d: {  	_ =	shalt  }
0x5e: {  	_ =	shalt  }
0x5f: {  	_ =	shalt  }
0x60: {  	_ =	shalt  }
0x61: {  	_ =	shalt  }
0x62: {  	_ =	shalt  }
0x63: {  	_ =	shalt  }
0x64: {  	_ =	shalt  }
0x65: {  	_ =	shalt  }
0x66: {  	_ =	shalt  }
0x67: {  	_ =	shalt  }
0x68: {  	_ =	shalt  }
0x69: {  	_ =	shalt  }
0x6a: {  	_ =	shalt  }
0x6b: {  	_ =	shalt  }
0x6c: {  	_ =	shalt  }
0x6d: {  	_ =	shalt  }
0x6e: {  	_ =	shalt  }
0x6f: {  	_ =	shalt  }
0x70: {  	_ =	shalt  }
0x71: {  	_ =	shalt  }
0x72: {  	_ =	shalt  }
0x73: {  	_ =	shalt  }
0x74: {  	_ =	shalt  }
0x75: {  	_ =	shalt  }
0x76: {  	_ =	shalt  }
0x77: {  	_ =	shalt  }
0x78: {  	_ =	shalt  }
0x79: {  	_ =	shalt  }
0x7a: {  	_ =	shalt  }
0x7b: {  	_ =	shalt  }
0x7c: {  	_ =	shalt  }
0x7d: {  	_ =	shalt  }
0x7e: {  	_ =	shalt  }
0x7f: {  	_ =	shalt  }
0x80: {  	_ =	shalt  }
0x81: {  	_ =	shalt  }
0x82: {  	_ =	shalt  }
0x83: {  	_ =	shalt  }
0x84: {  	_ =	shalt  }
0x85: {  	_ =	shalt  }
0x86: {  	_ =	shalt  }
0x87: {  	_ =	shalt  }
.Lfunc_end0:
.L_simem_size_0:
called_computation_lowered:
.L_overlay_start_0:
0x88: {  	s2 =	sld [smem:$0x3FD9]  }
0x89: {  	s3 =	sld [smem:$0x3FFE];
	_ =	sdelay $0x1  }
0x8a: {  	s1 =	srdreg.scid  }
0x8b: {  	s0 =	sand.u32 $0x1, s1  }
0x8c: {  	s14 =	sshll.u32 s0, $0xA;
	s2 =	sadd.s32 s3, s2  }
0x8d: {  	s2 =	sadd.s32 s2, s14  }
0x8e: {  	[smem:$0x3FC6] =	sst s2  }
0x8f: {  	_ = 	snop  }
0x90: {  	s2 =	sld [smem:$0x3FD0];
	_ =	sdelay $0x2  }
0x91: {  	s4 =	simm.s32 $0xA;
	s5 =	simm.s32 $0x10;
	s15 =	sld [smem:$0x3FC8]  }
0x92: {  	[smem:s5], [sflag:s4] =	dma.local [hbm:s2], $0x1  }
0x93: {  	_ =	swait.eq [sflag:s4], $0x1  }
0x94: {  	[sflag:s4] =	ssyncset.done $0x0  }
0x95: {  	[sflag:s4] =	ssyncadd.s32 $0xFFFFFFFF  }
0x96: {  	s16 =	sld [smem:$0x10];
	(tm) =	ssettm $0x1  }
0x97: {  	s17 =	sld [smem:$0x3FFB];
	_ =	sdelay $0x3  }
0x98: {  	_ =	strace s17  }
0x99: {  	s4 =	sld [smem:$0x3FFC];
	_ =	sdelay $0x3  }
0x9a: {  	_ =	strace s4  }
0x9b: {  	s4 =	sld [smem:$0x3FFD];
	_ =	sdelay $0x3  }
0x9c: {  	_ =	strace s4  }
0x9d: {  	_ =	strace $0x8FFFFFFF  }
0x9e: {  	s18 =	sld [smem:$0x3FDB];
	_ =	sdelay $0x1  }
0x9f: {  	s19 =	simm.s32 $_scs_section_size  }
0xa0: {  	s6 =	simm.s32 $_size__tile_overlayer_lowered;
	s7 =	simm.s32 $_tile_overlayer_lowered  }
0xa1: {  	s22 =	simm.s32 $0x1BFF;
	s21 =	sshll.u32 s7, $0x1;
	s4 =	sadd.s32 s19, s18  }
0xa2: {  	s8 =	simm.s32 $0x0;
	s20 =	sshll.u32 s6, $0x1;
	s6 =	sadd.s32 s21, s4  }
0xa3: {  	[timem:s8], [sflag:s22] =	dma.local [hbm:s6], s20  }
0xa4: {  	_ =	swait.ge [sflag:s22], s20  }
0xa5: {  	s5 =	ssub.s32 $0x0, s20;
	[sflag:s22] =	ssyncset.done $0x0  }
0xa6: {  	[sflag:s22] =	ssyncadd.s32 s5;
	_ =	sdelay $0x1  }
0xa7: {  	s23 =	simm.s32 $0x1B8B  }
0xa8: {  	_ =	swait.ge [sflag:s23], $0x1  }
0xa9: {  	[sflag:s23] =	ssyncset.done $0x0  }
0xaa: {  	s25 =	simm.s32 $0x1B8E;
	s24 =	sld [smem:$0x3FFE];
	[sflag:s23] =	ssyncadd.s32 $0xFFFFFFFF  }
0xab: {  	s26 =	simm.s32 $execute0_lowered;
	[smem:$0x3FD2] =	sst s25  }
0xac: {  	s6 =	sshll.u32 s26, $0x1;
	_ =	strace $0x80000046;
	[dreg:$0x1] =	wrdreg $0xFFFFFFFF  }
0xad: {  	s28 =	simm.s32 $_size_execute0_lowered;
	s4 =	sadd.s32 s4, s6;
	[dreg:$0x0] =	wrdreg $0x0  }
0xae: {  	s6 =	sshll.u32 s28, $0x1;
	[dreg:$0x2] =	wrdreg s4  }
0xaf: {  	[dreg:$0x3] =	wrdreg s6  }
0xb0: {  	[dreg:$0x4] =	wrdreg $0xC0  }
0xb1: {  	_ =	task [dreg:s8], $0x5FFFF  }
0xb2: {  	[dreg:$0x1] =	wrdreg $0xFFFFFFFF  }
0xb3: {  	[dreg:$0x0] =	wrdreg $0x60  }
0xb4: {  	[dreg:$0x2] =	wrdreg s15  }
0xb5: {  	[dreg:$0x3] =	wrdreg s24  }
0xb6: {  	[dreg:$0x4] =	wrdreg s16  }
0xb7: {  	[dreg:$0x5] =	wrdreg $0x9  }
0xb8: {  	_ =	task.clear_ibuf [dreg:s8], $0x6FFFF;
	_ =	strace $0x90000046  }
0xb9: {  	s29 =	simm.s32 $0x9;
	_ =	strace $0x80000048  }
0xba: {  	_ =	swait.ge [sflag:s29], $0x1  }
0xbb: {  	[sflag:s29] =	ssyncadd.s32 $0xFFFFFFFF  }
0xbc: {  	_ =	strace $0x90000048  }
0xbd: {  	_ =	sfence  }
0xbe: {  	s30 =	sld [smem:$0x0];
	_ =	sdelay $0x2  }
0xbf: {  	s31 =	sshll.u32 s1, $0xD;
	s1 =	sshrl.u32 s1, $0x2  }
0xc0: {  	s3 =	sand.u32 $0x4000, s31;
	s1 =	sadd.s32 s1, s30  }
0xc1: {  	s0 =	sor.u32 s3, s0;
	s1 =	sshll.u32 s1, $0x11  }
0xc2: {  	s0 =	sor.u32 s1, s0  }
0xc3: {  	s0 =	sadd.s32 $0x8F2B, s0  }
0xc4: {  	[sflag:s0] =	ssyncadd.remote.s32 $0x1  }
0xc5: {  	_ =	sfence.sel $0xFFFF  }
0xc6: {  	[dreg:$0x0] =	wrdreg $0xFFFFFFFF;
	(pc) =	sbr.abs _section_cstart, $3  }
0xc7: {  	[dreg:$0x1] =	wrdreg $0xFFFFFFFF  }
0xc8: {  	_ =	task.clear_ibuf [dreg:s8], $0x2FFFF;
	_ =	strace $0x9FFFFFFF  }
0xc9: {  	(tm) =	ssettm $0x7FFFFFFF  }
tec
execute0_lowered:
.L_overlay_start_1:
0x0: {  	(tag) =	ssettag $0x1  }
0x1: {  	s1 =	rddreg [dreg:$0x0]  }
0x2: {  	s10 =	rddreg [dreg:$0x1]  }
0x3: {  	s11 =	rddreg [dreg:$0x2]  }
0x4: {  	s0 =	rddreg [dreg:$0x3];
	s3 =	simm.s32 $0x0;
	s4 =	srdreg.scid  }
0x5: {  	s2 =	stileid.u32;
	s15 =	simm.s32 $0x880;
	s16 =	simm.s32 $0x1080  }
0x6: {  	s17 =	simm.s32 $0x1880;
	s18 =	simm.s32 $0x2080;
	s19 =	simm.s32 $0x2880  }
0x7: {  	s20 =	simm.s32 $0x3080;
	s21 =	simm.s32 $0x3880;
	s22 =	simm.s32 $0x4080  }
0x8: {  	s28 =	simm.s32 $0x6880;
	s29 =	simm.s32 $0x7080;
	s30 =	simm.s32 $0x7880  }
0x9: {  	s31 =	simm.s32 $0x1;
	[smem:$0x7FF] =	sst s3;
	s4 =	sand.u32 $0x1, s4  }
0xa: {  	s6 =	sshll.u32 s2, $0xA;
	s5 =	ssub.s32 $0x2, s4;
	s4 =	sshll.u32 s4, $0x9  }
0xb: {  	_ =	strace $0x80000047;
	s7 =	sshrl.u32 s5, $0x1;
	s9 =	sor.u32 s4, s6  }
0xc: {  	s12 =	ssub.s32 s5, s7;
	s4 =	sshrl.u32 s9, $0x3;
	s23 =	sshll.u32 s9, $0x5  }
0xd: {  	s6 =	sor.u32 $0x80, s9;
	s13 =	sor.u32 $0x100, s9;
	s14 =	sor.u32 $0x180, s9  }
0xe: {  	s4 =	sadd.s32 s10, s4;
	s5 =	sadd.s32 s11, s23;
	s24 =	sshrl.u32 s6, $0x3  }
0xf: {  	s8 =	sshll.u32 s6, $0x5;
	s25 =	sshrl.u32 s13, $0x3;
	s13 =	sshll.u32 s13, $0x5  }
0x10: {  	s26 =	sshrl.u32 s14, $0x3;
	s14 =	sshll.u32 s14, $0x5;
	s12 =	smax.u32 s12, $0x1  }
0x11: {  	s23 =	simm.s32 $0x4880;
	s6 =	sadd.s32 s10, s24;
	s7 =	sadd.s32 s11, s8  }
0x12: {  	v2 =	vlaneseq.u32;
	s8 =	sadd.s32 s10, s25;
	s9 =	sadd.s32 s11, s13;
	s10 =	sadd.s32 s10, s26  }
0x13: {  	vm0 =	vmmov $0xffff;
	v1 =	vshrl.u32 v2, $0x3;
	s11 =	sadd.s32 s11, s14;
	s13 =	simm.s32 $0x2;
	s14 =	simm.s32 $0x80  }
0x14: {  	v0 =	vand.u32 $0x7, v2;
	v2 =	vor.u32 $0x8, v2;
	v1 =	vmul.u32 $0x8, v1;
	s24 =	simm.s32 $0x5080;
	s25 =	simm.s32 $0x5880;
	s26 =	simm.s32 $0x6080  }
.LBB2_1:
0x15: {  	[tilespmem:s3], [sflag:$0x2] =	stream.linear.gather [hbm4b:s4+s3], $0x80, $0x38;
	[tilespmem:$0x8080] =	vst v63  }
0x16: {  	_ =	swait.ge [sflag:s13], $0x80  }
0x17: {  	[sflag:s13] =	ssyncset.done $0x0  }
0x18: {  	[sflag:s13] =	ssyncadd.s32 $0xFFFFFF80  }
0x19: {  	v3 =	vld [tilespmem:$0x0];
	_ =	sdelay $0x4  }
0x1a: {  	v4 =	vshll.u32 v3, $0x1  }
0x1b: {  	v3 =	vand.u32 $0x7, v3;
	v4 =	vand.u32 $0xFFFFFFF0, v4  }
0x1c: {  	v3 =	vor.u32 v3, v4  }
0x1d: {  	v4 =	vperm.xlane v3, v0;
	_ =	sdelay $0x1  }
0x1e: {  	v3 =	vperm.xlane v3, v2;
	v4 =	vadd.s32 v1, v4;
	_ =	sdelay $0x1  }
0x1f: {  	v3 =	vadd.s32 v1, v3;
	_ =	sdelay $0x2  }
0x20: {  	[tilespmem:s14], [sflag:$0x1] =	stream.indirect_vreg.gather [hbm4b:s1+s3], $0x80, v4, vm0, $0xb8;
	[tilespmem:$0x8080] =	vst v63  }
0x21: {  	_ = 	snop  }
0x22: {  	[tilespmem:s15], [sflag:$0x1] =	stream.indirect_vreg.gather [hbm4b:s1+s3], $0x80, v3, vm0, $0xb8;
	[tilespmem:$0x8080] =	vst v63  }
0x23: {  	v3 =	vld [tilespmem:$0x10];
	_ =	sdelay $0x4  }
0x24: {  	v33 =	vshll.u32 v3, $0x1  }
0x25: {  	v3 =	vand.u32 $0x7, v3;
	v4 =	vand.u32 $0xFFFFFFF0, v33  }
0x26: {  	v3 =	vor.u32 v3, v4  }
0x27: {  	v4 =	vperm.xlane v3, v0;
	_ =	sdelay $0x1  }
0x28: {  	v3 =	vperm.xlane v3, v2;
	v4 =	vadd.s32 v1, v4;
	_ =	sdelay $0x1  }
0x29: {  	v3 =	vadd.s32 v1, v3;
	_ =	sdelay $0x2  }
0x2a: {  	[tilespmem:s16], [sflag:$0x1] =	stream.indirect_vreg.gather [hbm4b:s1+s3], $0x80, v4, vm0, $0xb8;
	[tilespmem:$0x8080] =	vst v63  }
0x2b: {  	_ = 	snop  }
0x2c: {  	[tilespmem:s17], [sflag:$0x1] =	stream.indirect_vreg.gather [hbm4b:s1+s3], $0x80, v3, vm0, $0xb8;
	[tilespmem:$0x8080] =	vst v63  }
0x2d: {  	v3 =	vld [tilespmem:$0x20];
	_ =	sdelay $0x4  }
0x2e: {  	v34 =	vshll.u32 v3, $0x1  }
0x2f: {  	v3 =	vand.u32 $0x7, v3;
	v4 =	vand.u32 $0xFFFFFFF0, v34  }
0x30: {  	v3 =	vor.u32 v3, v4  }
0x31: {  	v4 =	vperm.xlane v3, v0;
	_ =	sdelay $0x1  }
0x32: {  	v3 =	vperm.xlane v3, v2;
	v4 =	vadd.s32 v1, v4;
	_ =	sdelay $0x1  }
0x33: {  	v3 =	vadd.s32 v1, v3;
	_ =	sdelay $0x2  }
0x34: {  	[tilespmem:s18], [sflag:$0x1] =	stream.indirect_vreg.gather [hbm4b:s1+s3], $0x80, v4, vm0, $0xb8;
	[tilespmem:$0x8080] =	vst v63  }
0x35: {  	_ = 	snop  }
0x36: {  	[tilespmem:s19], [sflag:$0x1] =	stream.indirect_vreg.gather [hbm4b:s1+s3], $0x80, v3, vm0, $0xb8;
	[tilespmem:$0x8080] =	vst v63  }
0x37: {  	v3 =	vld [tilespmem:$0x30];
	_ =	sdelay $0x4  }
0x38: {  	v35 =	vshll.u32 v3, $0x1  }
0x39: {  	v3 =	vand.u32 $0x7, v3;
	v4 =	vand.u32 $0xFFFFFFF0, v35  }
0x3a: {  	v3 =	vor.u32 v3, v4  }
0x3b: {  	v4 =	vperm.xlane v3, v0;
	_ =	sdelay $0x1  }
0x3c: {  	v3 =	vperm.xlane v3, v2;
	v4 =	vadd.s32 v1, v4;
	_ =	sdelay $0x1  }
0x3d: {  	v3 =	vadd.s32 v1, v3;
	_ =	sdelay $0x2  }
0x3e: {  	[tilespmem:s20], [sflag:$0x1] =	stream.indirect_vreg.gather [hbm4b:s1+s3], $0x80, v4, vm0, $0xb8;
	[tilespmem:$0x8080] =	vst v63  }
0x3f: {  	_ = 	snop  }
0x40: {  	[tilespmem:s21], [sflag:$0x1] =	stream.indirect_vreg.gather [hbm4b:s1+s3], $0x80, v3, vm0, $0xb8;
	[tilespmem:$0x8080] =	vst v63  }
0x41: {  	v3 =	vld [tilespmem:$0x40];
	_ =	sdelay $0x4  }
0x42: {  	v36 =	vshll.u32 v3, $0x1  }
0x43: {  	v3 =	vand.u32 $0x7, v3;
	v4 =	vand.u32 $0xFFFFFFF0, v36  }
0x44: {  	v3 =	vor.u32 v3, v4  }
0x45: {  	v4 =	vperm.xlane v3, v0;
	_ =	sdelay $0x1  }
0x46: {  	v3 =	vperm.xlane v3, v2;
	v4 =	vadd.s32 v1, v4;
	_ =	sdelay $0x1  }
0x47: {  	v3 =	vadd.s32 v1, v3;
	_ =	sdelay $0x2  }
0x48: {  	[tilespmem:s22], [sflag:$0x1] =	stream.indirect_vreg.gather [hbm4b:s1+s3], $0x80, v4, vm0, $0xb8;
	[tilespmem:$0x8080] =	vst v63  }
0x49: {  	_ = 	snop  }
0x4a: {  	[tilespmem:s23], [sflag:$0x1] =	stream.indirect_vreg.gather [hbm4b:s1+s3], $0x80, v3, vm0, $0xb8;
	[tilespmem:$0x8080] =	vst v63  }
0x4b: {  	v3 =	vld [tilespmem:$0x50];
	_ =	sdelay $0x4  }
0x4c: {  	v37 =	vshll.u32 v3, $0x1  }
0x4d: {  	v3 =	vand.u32 $0x7, v3;
	v4 =	vand.u32 $0xFFFFFFF0, v37  }
0x4e: {  	v3 =	vor.u32 v3, v4  }
0x4f: {  	v4 =	vperm.xlane v3, v0;
	_ =	sdelay $0x1  }
0x50: {  	v3 =	vperm.xlane v3, v2;
	v4 =	vadd.s32 v1, v4;
	_ =	sdelay $0x1  }
0x51: {  	v3 =	vadd.s32 v1, v3;
	_ =	sdelay $0x2  }
0x52: {  	[tilespmem:s24], [sflag:$0x1] =	stream.indirect_vreg.gather [hbm4b:s1+s3], $0x80, v4, vm0, $0xb8;
	[tilespmem:$0x8080] =	vst v63  }
0x53: {  	_ = 	snop  }
0x54: {  	[tilespmem:s25], [sflag:$0x1] =	stream.indirect_vreg.gather [hbm4b:s1+s3], $0x80, v3, vm0, $0xb8;
	[tilespmem:$0x8080] =	vst v63  }
0x55: {  	v3 =	vld [tilespmem:$0x60];
	_ =	sdelay $0x4  }
0x56: {  	v38 =	vshll.u32 v3, $0x1  }
0x57: {  	v3 =	vand.u32 $0x7, v3;
	v4 =	vand.u32 $0xFFFFFFF0, v38  }
0x58: {  	v3 =	vor.u32 v3, v4  }
0x59: {  	v4 =	vperm.xlane v3, v0;
	_ =	sdelay $0x1  }
0x5a: {  	v3 =	vperm.xlane v3, v2;
	v4 =	vadd.s32 v1, v4;
	_ =	sdelay $0x1  }
0x5b: {  	v3 =	vadd.s32 v1, v3;
	_ =	sdelay $0x2  }
0x5c: {  	[tilespmem:s26], [sflag:$0x1] =	stream.indirect_vreg.gather [hbm4b:s1+s3], $0x80, v4, vm0, $0xb8;
	[tilespmem:$0x8080] =	vst v63  }
0x5d: {  	_ = 	snop  }
0x5e: {  	[tilespmem:s28], [sflag:$0x1] =	stream.indirect_vreg.gather [hbm4b:s1+s3], $0x80, v3, vm0, $0xb8;
	[tilespmem:$0x8080] =	vst v63  }
0x5f: {  	v3 =	vld [tilespmem:$0x70];
	_ =	sdelay $0x4  }
0x60: {  	v39 =	vshll.u32 v3, $0x1  }
0x61: {  	v3 =	vand.u32 $0x7, v3;
	v4 =	vand.u32 $0xFFFFFFF0, v39  }
0x62: {  	v3 =	vor.u32 v3, v4  }
0x63: {  	v4 =	vperm.xlane v3, v0;
	_ =	sdelay $0x1  }
0x64: {  	v3 =	vperm.xlane v3, v2;
	v4 =	vadd.s32 v1, v4;
	_ =	sdelay $0x1  }
0x65: {  	v3 =	vadd.s32 v1, v3;
	_ =	sdelay $0x2  }
0x66: {  	[tilespmem:s29], [sflag:$0x1] =	stream.indirect_vreg.gather [hbm4b:s1+s3], $0x80, v4, vm0, $0xb8;
	[tilespmem:$0x8080] =	vst v63  }
0x67: {  	_ = 	snop  }
0x68: {  	[tilespmem:s30], [sflag:$0x1] =	stream.indirect_vreg.gather [hbm4b:s1+s3], $0x80, v3, vm0, $0xb8;
	[tilespmem:$0x8080] =	vst v63  }
0x69: {  	_ =	swait.ge [sflag:s31], $0x8000  }
0x6a: {  	[sflag:s31] =	ssyncset.done $0x0  }
0x6b: {  	[sflag:s31] =	ssyncadd.s32 $0xFFFF8000  }
0x6c: {  	[hbm4b:s5+s3] =	stream.linear.scatter [tilespmem:s14], [sflag:$0x2], $0x8000, $0x38;
	[tilespmem:$0x8080] =	vst v63  }
0x6d: {  	_ =	swait.ge [sflag:s13], $0x8000  }
0x6e: {  	[sflag:s13] =	ssyncset.done $0x0  }
0x6f: {  	[sflag:s13] =	ssyncadd.s32 $0xFFFF8000  }
0x70: {  	[tilespmem:s3], [sflag:$0x2] =	stream.linear.gather [hbm4b:s6+s3], $0x80, $0x38;
	[tilespmem:$0x8080] =	vst v63  }
0x71: {  	_ =	swait.ge [sflag:s13], $0x80  }
0x72: {  	[sflag:s13] =	ssyncset.done $0x0  }
0x73: {  	[sflag:s13] =	ssyncadd.s32 $0xFFFFFF80  }
0x74: {  	v3 =	vld [tilespmem:$0x0];
	_ =	sdelay $0x4  }
0x75: {  	v40 =	vshll.u32 v3, $0x1  }
0x76: {  	v3 =	vand.u32 $0x7, v3;
	v4 =	vand.u32 $0xFFFFFFF0, v40  }
0x77: {  	v3 =	vor.u32 v3, v4  }
0x78: {  	v4 =	vperm.xlane v3, v0;
	_ =	sdelay $0x1  }
0x79: {  	v3 =	vperm.xlane v3, v2;
	v4 =	vadd.s32 v1, v4;
	_ =	sdelay $0x1  }
0x7a: {  	v3 =	vadd.s32 v1, v3;
	_ =	sdelay $0x2  }
0x7b: {  	[tilespmem:s14], [sflag:$0x1] =	stream.indirect_vreg.gather [hbm4b:s1+s3], $0x80, v4, vm0, $0xb8;
	[tilespmem:$0x8080] =	vst v63  }
0x7c: {  	_ = 	snop  }
0x7d: {  	[tilespmem:s15], [sflag:$0x1] =	stream.indirect_vreg.gather [hbm4b:s1+s3], $0x80, v3, vm0, $0xb8;
	[tilespmem:$0x8080] =	vst v63  }
0x7e: {  	v3 =	vld [tilespmem:$0x10];
	_ =	sdelay $0x4  }
0x7f: {  	v41 =	vshll.u32 v3, $0x1  }
0x80: {  	v3 =	vand.u32 $0x7, v3;
	v4 =	vand.u32 $0xFFFFFFF0, v41  }
0x81: {  	v3 =	vor.u32 v3, v4  }
0x82: {  	v4 =	vperm.xlane v3, v0;
	_ =	sdelay $0x1  }
0x83: {  	v3 =	vperm.xlane v3, v2;
	v4 =	vadd.s32 v1, v4;
	_ =	sdelay $0x1  }
0x84: {  	v3 =	vadd.s32 v1, v3;
	_ =	sdelay $0x2  }
0x85: {  	[tilespmem:s16], [sflag:$0x1] =	stream.indirect_vreg.gather [hbm4b:s1+s3], $0x80, v4, vm0, $0xb8;
	[tilespmem:$0x8080] =	vst v63  }
0x86: {  	_ = 	snop  }
0x87: {  	[tilespmem:s17], [sflag:$0x1] =	stream.indirect_vreg.gather [hbm4b:s1+s3], $0x80, v3, vm0, $0xb8;
	[tilespmem:$0x8080] =	vst v63  }
0x88: {  	v3 =	vld [tilespmem:$0x20];
	_ =	sdelay $0x4  }
0x89: {  	v42 =	vshll.u32 v3, $0x1  }
0x8a: {  	v3 =	vand.u32 $0x7, v3;
	v4 =	vand.u32 $0xFFFFFFF0, v42  }
0x8b: {  	v3 =	vor.u32 v3, v4  }
0x8c: {  	v4 =	vperm.xlane v3, v0;
	_ =	sdelay $0x1  }
0x8d: {  	v3 =	vperm.xlane v3, v2;
	v4 =	vadd.s32 v1, v4;
	_ =	sdelay $0x1  }
0x8e: {  	v3 =	vadd.s32 v1, v3;
	_ =	sdelay $0x2  }
0x8f: {  	[tilespmem:s18], [sflag:$0x1] =	stream.indirect_vreg.gather [hbm4b:s1+s3], $0x80, v4, vm0, $0xb8;
	[tilespmem:$0x8080] =	vst v63  }
0x90: {  	_ = 	snop  }
0x91: {  	[tilespmem:s19], [sflag:$0x1] =	stream.indirect_vreg.gather [hbm4b:s1+s3], $0x80, v3, vm0, $0xb8;
	[tilespmem:$0x8080] =	vst v63  }
0x92: {  	v3 =	vld [tilespmem:$0x30];
	_ =	sdelay $0x4  }
0x93: {  	v43 =	vshll.u32 v3, $0x1  }
0x94: {  	v3 =	vand.u32 $0x7, v3;
	v4 =	vand.u32 $0xFFFFFFF0, v43  }
0x95: {  	v3 =	vor.u32 v3, v4  }
0x96: {  	v4 =	vperm.xlane v3, v0;
	_ =	sdelay $0x1  }
0x97: {  	v3 =	vperm.xlane v3, v2;
	v4 =	vadd.s32 v1, v4;
	_ =	sdelay $0x1  }
0x98: {  	v3 =	vadd.s32 v1, v3;
	_ =	sdelay $0x2  }
0x99: {  	[tilespmem:s20], [sflag:$0x1] =	stream.indirect_vreg.gather [hbm4b:s1+s3], $0x80, v4, vm0, $0xb8;
	[tilespmem:$0x8080] =	vst v63  }
0x9a: {  	_ = 	snop  }
0x9b: {  	[tilespmem:s21], [sflag:$0x1] =	stream.indirect_vreg.gather [hbm4b:s1+s3], $0x80, v3, vm0, $0xb8;
	[tilespmem:$0x8080] =	vst v63  }
0x9c: {  	v3 =	vld [tilespmem:$0x40];
	_ =	sdelay $0x4  }
0x9d: {  	v44 =	vshll.u32 v3, $0x1  }
0x9e: {  	v3 =	vand.u32 $0x7, v3;
	v4 =	vand.u32 $0xFFFFFFF0, v44  }
0x9f: {  	v3 =	vor.u32 v3, v4  }
0xa0: {  	v4 =	vperm.xlane v3, v0;
	_ =	sdelay $0x1  }
0xa1: {  	v3 =	vperm.xlane v3, v2;
	v4 =	vadd.s32 v1, v4;
	_ =	sdelay $0x1  }
0xa2: {  	v3 =	vadd.s32 v1, v3;
	_ =	sdelay $0x2  }
0xa3: {  	[tilespmem:s22], [sflag:$0x1] =	stream.indirect_vreg.gather [hbm4b:s1+s3], $0x80, v4, vm0, $0xb8;
	[tilespmem:$0x8080] =	vst v63  }
0xa4: {  	_ = 	snop  }
0xa5: {  	[tilespmem:s23], [sflag:$0x1] =	stream.indirect_vreg.gather [hbm4b:s1+s3], $0x80, v3, vm0, $0xb8;
	[tilespmem:$0x8080] =	vst v63  }
0xa6: {  	v3 =	vld [tilespmem:$0x50];
	_ =	sdelay $0x4  }
0xa7: {  	v45 =	vshll.u32 v3, $0x1  }
0xa8: {  	v3 =	vand.u32 $0x7, v3;
	v4 =	vand.u32 $0xFFFFFFF0, v45  }
0xa9: {  	v3 =	vor.u32 v3, v4  }
0xaa: {  	v4 =	vperm.xlane v3, v0;
	_ =	sdelay $0x1  }
0xab: {  	v3 =	vperm.xlane v3, v2;
	v4 =	vadd.s32 v1, v4;
	_ =	sdelay $0x1  }
0xac: {  	v3 =	vadd.s32 v1, v3;
	_ =	sdelay $0x2  }
0xad: {  	[tilespmem:s24], [sflag:$0x1] =	stream.indirect_vreg.gather [hbm4b:s1+s3], $0x80, v4, vm0, $0xb8;
	[tilespmem:$0x8080] =	vst v63  }
0xae: {  	_ = 	snop  }
0xaf: {  	[tilespmem:s25], [sflag:$0x1] =	stream.indirect_vreg.gather [hbm4b:s1+s3], $0x80, v3, vm0, $0xb8;
	[tilespmem:$0x8080] =	vst v63  }
0xb0: {  	v3 =	vld [tilespmem:$0x60];
	_ =	sdelay $0x4  }
0xb1: {  	v46 =	vshll.u32 v3, $0x1  }
0xb2: {  	v3 =	vand.u32 $0x7, v3;
	v4 =	vand.u32 $0xFFFFFFF0, v46  }
0xb3: {  	v3 =	vor.u32 v3, v4  }
0xb4: {  	v4 =	vperm.xlane v3, v0;
	_ =	sdelay $0x1  }
0xb5: {  	v3 =	vperm.xlane v3, v2;
	v4 =	vadd.s32 v1, v4;
	_ =	sdelay $0x1  }
0xb6: {  	v3 =	vadd.s32 v1, v3;
	_ =	sdelay $0x2  }
0xb7: {  	[tilespmem:s26], [sflag:$0x1] =	stream.indirect_vreg.gather [hbm4b:s1+s3], $0x80, v4, vm0, $0xb8;
	[tilespmem:$0x8080] =	vst v63  }
0xb8: {  	_ = 	snop  }
0xb9: {  	[tilespmem:s28], [sflag:$0x1] =	stream.indirect_vreg.gather [hbm4b:s1+s3], $0x80, v3, vm0, $0xb8;
	[tilespmem:$0x8080] =	vst v63  }
0xba: {  	v3 =	vld [tilespmem:$0x70];
	_ =	sdelay $0x4  }
0xbb: {  	v47 =	vshll.u32 v3, $0x1  }
0xbc: {  	v3 =	vand.u32 $0x7, v3;
	v4 =	vand.u32 $0xFFFFFFF0, v47  }
0xbd: {  	v3 =	vor.u32 v3, v4  }
0xbe: {  	v4 =	vperm.xlane v3, v0;
	_ =	sdelay $0x1  }
0xbf: {  	v3 =	vperm.xlane v3, v2;
	v4 =	vadd.s32 v1, v4;
	_ =	sdelay $0x1  }
0xc0: {  	v3 =	vadd.s32 v1, v3;
	_ =	sdelay $0x2  }
0xc1: {  	[tilespmem:s29], [sflag:$0x1] =	stream.indirect_vreg.gather [hbm4b:s1+s3], $0x80, v4, vm0, $0xb8;
	[tilespmem:$0x8080] =	vst v63  }
0xc2: {  	_ = 	snop  }
0xc3: {  	[tilespmem:s30], [sflag:$0x1] =	stream.indirect_vreg.gather [hbm4b:s1+s3], $0x80, v3, vm0, $0xb8;
	[tilespmem:$0x8080] =	vst v63  }
0xc4: {  	_ =	swait.ge [sflag:s31], $0x8000  }
0xc5: {  	[sflag:s31] =	ssyncset.done $0x0  }
0xc6: {  	[sflag:s31] =	ssyncadd.s32 $0xFFFF8000  }
0xc7: {  	[hbm4b:s7+s3] =	stream.linear.scatter [tilespmem:s14], [sflag:$0x2], $0x8000, $0x38;
	[tilespmem:$0x8080] =	vst v63  }
0xc8: {  	_ =	swait.ge [sflag:s13], $0x8000  }
0xc9: {  	[sflag:s13] =	ssyncset.done $0x0  }
0xca: {  	[sflag:s13] =	ssyncadd.s32 $0xFFFF8000  }
0xcb: {  	[tilespmem:s3], [sflag:$0x2] =	stream.linear.gather [hbm4b:s8+s3], $0x80, $0x38;
	[tilespmem:$0x8080] =	vst v63  }
0xcc: {  	_ =	swait.ge [sflag:s13], $0x80  }
0xcd: {  	[sflag:s13] =	ssyncset.done $0x0  }
0xce: {  	[sflag:s13] =	ssyncadd.s32 $0xFFFFFF80  }
0xcf: {  	v3 =	vld [tilespmem:$0x0];
	_ =	sdelay $0x4  }
0xd0: {  	v48 =	vshll.u32 v3, $0x1  }
0xd1: {  	v3 =	vand.u32 $0x7, v3;
	v4 =	vand.u32 $0xFFFFFFF0, v48  }
0xd2: {  	v3 =	vor.u32 v3, v4  }
0xd3: {  	v4 =	vperm.xlane v3, v0;
	_ =	sdelay $0x1  }
0xd4: {  	v3 =	vperm.xlane v3, v2;
	v4 =	vadd.s32 v1, v4;
	_ =	sdelay $0x1  }
0xd5: {  	v3 =	vadd.s32 v1, v3;
	_ =	sdelay $0x2  }
0xd6: {  	[tilespmem:s14], [sflag:$0x1] =	stream.indirect_vreg.gather [hbm4b:s1+s3], $0x80, v4, vm0, $0xb8;
	[tilespmem:$0x8080] =	vst v63  }
0xd7: {  	_ = 	snop  }
0xd8: {  	[tilespmem:s15], [sflag:$0x1] =	stream.indirect_vreg.gather [hbm4b:s1+s3], $0x80, v3, vm0, $0xb8;
	[tilespmem:$0x8080] =	vst v63  }
0xd9: {  	v3 =	vld [tilespmem:$0x10];
	_ =	sdelay $0x4  }
0xda: {  	v49 =	vshll.u32 v3, $0x1  }
0xdb: {  	v3 =	vand.u32 $0x7, v3;
	v4 =	vand.u32 $0xFFFFFFF0, v49  }
0xdc: {  	v3 =	vor.u32 v3, v4  }
0xdd: {  	v4 =	vperm.xlane v3, v0;
	_ =	sdelay $0x1  }
0xde: {  	v3 =	vperm.xlane v3, v2;
	v4 =	vadd.s32 v1, v4;
	_ =	sdelay $0x1  }
0xdf: {  	v3 =	vadd.s32 v1, v3;
	_ =	sdelay $0x2  }
0xe0: {  	[tilespmem:s16], [sflag:$0x1] =	stream.indirect_vreg.gather [hbm4b:s1+s3], $0x80, v4, vm0, $0xb8;
	[tilespmem:$0x8080] =	vst v63  }
0xe1: {  	_ = 	snop  }
0xe2: {  	[tilespmem:s17], [sflag:$0x1] =	stream.indirect_vreg.gather [hbm4b:s1+s3], $0x80, v3, vm0, $0xb8;
	[tilespmem:$0x8080] =	vst v63  }
0xe3: {  	v3 =	vld [tilespmem:$0x20];
	_ =	sdelay $0x4  }
0xe4: {  	v50 =	vshll.u32 v3, $0x1  }
0xe5: {  	v3 =	vand.u32 $0x7, v3;
	v4 =	vand.u32 $0xFFFFFFF0, v50  }
0xe6: {  	v3 =	vor.u32 v3, v4  }
0xe7: {  	v4 =	vperm.xlane v3, v0;
	_ =	sdelay $0x1  }
0xe8: {  	v3 =	vperm.xlane v3, v2;
	v4 =	vadd.s32 v1, v4;
	_ =	sdelay $0x1  }
0xe9: {  	v3 =	vadd.s32 v1, v3;
	_ =	sdelay $0x2  }
0xea: {  	[tilespmem:s18], [sflag:$0x1] =	stream.indirect_vreg.gather [hbm4b:s1+s3], $0x80, v4, vm0, $0xb8;
	[tilespmem:$0x8080] =	vst v63  }
0xeb: {  	_ = 	snop  }
0xec: {  	[tilespmem:s19], [sflag:$0x1] =	stream.indirect_vreg.gather [hbm4b:s1+s3], $0x80, v3, vm0, $0xb8;
	[tilespmem:$0x8080] =	vst v63  }
0xed: {  	v3 =	vld [tilespmem:$0x30];
	_ =	sdelay $0x4  }
0xee: {  	v51 =	vshll.u32 v3, $0x1  }
0xef: {  	v3 =	vand.u32 $0x7, v3;
	v4 =	vand.u32 $0xFFFFFFF0, v51  }
0xf0: {  	v3 =	vor.u32 v3, v4  }
0xf1: {  	v4 =	vperm.xlane v3, v0;
	_ =	sdelay $0x1  }
0xf2: {  	v3 =	vperm.xlane v3, v2;
	v4 =	vadd.s32 v1, v4;
	_ =	sdelay $0x1  }
0xf3: {  	v3 =	vadd.s32 v1, v3;
	_ =	sdelay $0x2  }
0xf4: {  	[tilespmem:s20], [sflag:$0x1] =	stream.indirect_vreg.gather [hbm4b:s1+s3], $0x80, v4, vm0, $0xb8;
	[tilespmem:$0x8080] =	vst v63  }
0xf5: {  	_ = 	snop  }
0xf6: {  	[tilespmem:s21], [sflag:$0x1] =	stream.indirect_vreg.gather [hbm4b:s1+s3], $0x80, v3, vm0, $0xb8;
	[tilespmem:$0x8080] =	vst v63  }
0xf7: {  	v3 =	vld [tilespmem:$0x40];
	_ =	sdelay $0x4  }
0xf8: {  	v52 =	vshll.u32 v3, $0x1  }
0xf9: {  	v3 =	vand.u32 $0x7, v3;
	v4 =	vand.u32 $0xFFFFFFF0, v52  }
0xfa: {  	v3 =	vor.u32 v3, v4  }
0xfb: {  	v4 =	vperm.xlane v3, v0;
	_ =	sdelay $0x1  }
0xfc: {  	v3 =	vperm.xlane v3, v2;
	v4 =	vadd.s32 v1, v4;
	_ =	sdelay $0x1  }
0xfd: {  	v3 =	vadd.s32 v1, v3;
	_ =	sdelay $0x2  }
0xfe: {  	[tilespmem:s22], [sflag:$0x1] =	stream.indirect_vreg.gather [hbm4b:s1+s3], $0x80, v4, vm0, $0xb8;
	[tilespmem:$0x8080] =	vst v63  }
0xff: {  	_ = 	snop  }
0x100: {  	[tilespmem:s23], [sflag:$0x1] =	stream.indirect_vreg.gather [hbm4b:s1+s3], $0x80, v3, vm0, $0xb8;
	[tilespmem:$0x8080] =	vst v63  }
0x101: {  	v3 =	vld [tilespmem:$0x50];
	_ =	sdelay $0x4  }
0x102: {  	v53 =	vshll.u32 v3, $0x1  }
0x103: {  	v3 =	vand.u32 $0x7, v3;
	v4 =	vand.u32 $0xFFFFFFF0, v53  }
0x104: {  	v3 =	vor.u32 v3, v4  }
0x105: {  	v4 =	vperm.xlane v3, v0;
	_ =	sdelay $0x1  }
0x106: {  	v3 =	vperm.xlane v3, v2;
	v4 =	vadd.s32 v1, v4;
	_ =	sdelay $0x1  }
0x107: {  	v3 =	vadd.s32 v1, v3;
	_ =	sdelay $0x2  }
0x108: {  	[tilespmem:s24], [sflag:$0x1] =	stream.indirect_vreg.gather [hbm4b:s1+s3], $0x80, v4, vm0, $0xb8;
	[tilespmem:$0x8080] =	vst v63  }
0x109: {  	_ = 	snop  }
0x10a: {  	[tilespmem:s25], [sflag:$0x1] =	stream.indirect_vreg.gather [hbm4b:s1+s3], $0x80, v3, vm0, $0xb8;
	[tilespmem:$0x8080] =	vst v63  }
0x10b: {  	v3 =	vld [tilespmem:$0x60];
	_ =	sdelay $0x4  }
0x10c: {  	v54 =	vshll.u32 v3, $0x1  }
0x10d: {  	v3 =	vand.u32 $0x7, v3;
	v4 =	vand.u32 $0xFFFFFFF0, v54  }
0x10e: {  	v3 =	vor.u32 v3, v4  }
0x10f: {  	v4 =	vperm.xlane v3, v0;
	_ =	sdelay $0x1  }
0x110: {  	v3 =	vperm.xlane v3, v2;
	v4 =	vadd.s32 v1, v4;
	_ =	sdelay $0x1  }
0x111: {  	v3 =	vadd.s32 v1, v3;
	_ =	sdelay $0x2  }
0x112: {  	[tilespmem:s26], [sflag:$0x1] =	stream.indirect_vreg.gather [hbm4b:s1+s3], $0x80, v4, vm0, $0xb8;
	[tilespmem:$0x8080] =	vst v63  }
0x113: {  	_ = 	snop  }
0x114: {  	[tilespmem:s28], [sflag:$0x1] =	stream.indirect_vreg.gather [hbm4b:s1+s3], $0x80, v3, vm0, $0xb8;
	[tilespmem:$0x8080] =	vst v63  }
0x115: {  	v3 =	vld [tilespmem:$0x70];
	_ =	sdelay $0x4  }
0x116: {  	v55 =	vshll.u32 v3, $0x1  }
0x117: {  	v3 =	vand.u32 $0x7, v3;
	v4 =	vand.u32 $0xFFFFFFF0, v55  }
0x118: {  	v3 =	vor.u32 v3, v4  }
0x119: {  	v4 =	vperm.xlane v3, v0;
	_ =	sdelay $0x1  }
0x11a: {  	v3 =	vperm.xlane v3, v2;
	v4 =	vadd.s32 v1, v4;
	_ =	sdelay $0x1  }
0x11b: {  	v3 =	vadd.s32 v1, v3;
	_ =	sdelay $0x2  }
0x11c: {  	[tilespmem:s29], [sflag:$0x1] =	stream.indirect_vreg.gather [hbm4b:s1+s3], $0x80, v4, vm0, $0xb8;
	[tilespmem:$0x8080] =	vst v63  }
0x11d: {  	_ = 	snop  }
0x11e: {  	[tilespmem:s30], [sflag:$0x1] =	stream.indirect_vreg.gather [hbm4b:s1+s3], $0x80, v3, vm0, $0xb8;
	[tilespmem:$0x8080] =	vst v63  }
0x11f: {  	_ =	swait.ge [sflag:s31], $0x8000  }
0x120: {  	[sflag:s31] =	ssyncset.done $0x0  }
0x121: {  	[sflag:s31] =	ssyncadd.s32 $0xFFFF8000  }
0x122: {  	[hbm4b:s9+s3] =	stream.linear.scatter [tilespmem:s14], [sflag:$0x2], $0x8000, $0x38;
	[tilespmem:$0x8080] =	vst v63  }
0x123: {  	_ =	swait.ge [sflag:s13], $0x8000  }
0x124: {  	[sflag:s13] =	ssyncset.done $0x0  }
0x125: {  	[sflag:s13] =	ssyncadd.s32 $0xFFFF8000  }
0x126: {  	[tilespmem:s3], [sflag:$0x2] =	stream.linear.gather [hbm4b:s10+s3], $0x80, $0x38;
	[tilespmem:$0x8080] =	vst v63  }
0x127: {  	_ =	swait.ge [sflag:s13], $0x80  }
0x128: {  	[sflag:s13] =	ssyncset.done $0x0  }
0x129: {  	[sflag:s13] =	ssyncadd.s32 $0xFFFFFF80  }
0x12a: {  	v3 =	vld [tilespmem:$0x0];
	_ =	sdelay $0x4  }
0x12b: {  	v56 =	vshll.u32 v3, $0x1  }
0x12c: {  	v3 =	vand.u32 $0x7, v3;
	v4 =	vand.u32 $0xFFFFFFF0, v56  }
0x12d: {  	v3 =	vor.u32 v3, v4  }
0x12e: {  	v4 =	vperm.xlane v3, v0;
	_ =	sdelay $0x1  }
0x12f: {  	v3 =	vperm.xlane v3, v2;
	v4 =	vadd.s32 v1, v4;
	_ =	sdelay $0x1  }
0x130: {  	v3 =	vadd.s32 v1, v3;
	_ =	sdelay $0x2  }
0x131: {  	[tilespmem:s14], [sflag:$0x1] =	stream.indirect_vreg.gather [hbm4b:s1+s3], $0x80, v4, vm0, $0xb8;
	[tilespmem:$0x8080] =	vst v63  }
0x132: {  	_ = 	snop  }
0x133: {  	[tilespmem:s15], [sflag:$0x1] =	stream.indirect_vreg.gather [hbm4b:s1+s3], $0x80, v3, vm0, $0xb8;
	[tilespmem:$0x8080] =	vst v63  }
0x134: {  	v3 =	vld [tilespmem:$0x10];
	_ =	sdelay $0x4  }
0x135: {  	v57 =	vshll.u32 v3, $0x1  }
0x136: {  	v3 =	vand.u32 $0x7, v3;
	v4 =	vand.u32 $0xFFFFFFF0, v57  }
0x137: {  	v3 =	vor.u32 v3, v4  }
0x138: {  	v4 =	vperm.xlane v3, v0;
	_ =	sdelay $0x1  }
0x139: {  	v3 =	vperm.xlane v3, v2;
	v4 =	vadd.s32 v1, v4;
	_ =	sdelay $0x1  }
0x13a: {  	v3 =	vadd.s32 v1, v3;
	_ =	sdelay $0x2  }
0x13b: {  	[tilespmem:s16], [sflag:$0x1] =	stream.indirect_vreg.gather [hbm4b:s1+s3], $0x80, v4, vm0, $0xb8;
	[tilespmem:$0x8080] =	vst v63  }
0x13c: {  	_ = 	snop  }
0x13d: {  	[tilespmem:s17], [sflag:$0x1] =	stream.indirect_vreg.gather [hbm4b:s1+s3], $0x80, v3, vm0, $0xb8;
	[tilespmem:$0x8080] =	vst v63  }
0x13e: {  	v3 =	vld [tilespmem:$0x20];
	_ =	sdelay $0x4  }
0x13f: {  	v58 =	vshll.u32 v3, $0x1  }
0x140: {  	v3 =	vand.u32 $0x7, v3;
	v4 =	vand.u32 $0xFFFFFFF0, v58  }
0x141: {  	v3 =	vor.u32 v3, v4  }
0x142: {  	v4 =	vperm.xlane v3, v0;
	_ =	sdelay $0x1  }
0x143: {  	v3 =	vperm.xlane v3, v2;
	v4 =	vadd.s32 v1, v4;
	_ =	sdelay $0x1  }
0x144: {  	v3 =	vadd.s32 v1, v3;
	_ =	sdelay $0x2  }
0x145: {  	[tilespmem:s18], [sflag:$0x1] =	stream.indirect_vreg.gather [hbm4b:s1+s3], $0x80, v4, vm0, $0xb8;
	[tilespmem:$0x8080] =	vst v63  }
0x146: {  	_ = 	snop  }
0x147: {  	[tilespmem:s19], [sflag:$0x1] =	stream.indirect_vreg.gather [hbm4b:s1+s3], $0x80, v3, vm0, $0xb8;
	[tilespmem:$0x8080] =	vst v63  }
0x148: {  	v3 =	vld [tilespmem:$0x30];
	_ =	sdelay $0x4  }
0x149: {  	v59 =	vshll.u32 v3, $0x1  }
0x14a: {  	v3 =	vand.u32 $0x7, v3;
	v4 =	vand.u32 $0xFFFFFFF0, v59  }
0x14b: {  	v3 =	vor.u32 v3, v4  }
0x14c: {  	v4 =	vperm.xlane v3, v0;
	_ =	sdelay $0x1  }
0x14d: {  	v3 =	vperm.xlane v3, v2;
	v4 =	vadd.s32 v1, v4;
	_ =	sdelay $0x1  }
0x14e: {  	v3 =	vadd.s32 v1, v3;
	_ =	sdelay $0x2  }
0x14f: {  	[tilespmem:s20], [sflag:$0x1] =	stream.indirect_vreg.gather [hbm4b:s1+s3], $0x80, v4, vm0, $0xb8;
	[tilespmem:$0x8080] =	vst v63  }
0x150: {  	_ = 	snop  }
0x151: {  	[tilespmem:s21], [sflag:$0x1] =	stream.indirect_vreg.gather [hbm4b:s1+s3], $0x80, v3, vm0, $0xb8;
	[tilespmem:$0x8080] =	vst v63  }
0x152: {  	v3 =	vld [tilespmem:$0x40];
	_ =	sdelay $0x4  }
0x153: {  	v60 =	vshll.u32 v3, $0x1  }
0x154: {  	v3 =	vand.u32 $0x7, v3;
	v4 =	vand.u32 $0xFFFFFFF0, v60  }
0x155: {  	v3 =	vor.u32 v3, v4  }
0x156: {  	v4 =	vperm.xlane v3, v0;
	_ =	sdelay $0x1  }
0x157: {  	v3 =	vperm.xlane v3, v2;
	v4 =	vadd.s32 v1, v4;
	_ =	sdelay $0x1  }
0x158: {  	v3 =	vadd.s32 v1, v3;
	_ =	sdelay $0x2  }
0x159: {  	[tilespmem:s22], [sflag:$0x1] =	stream.indirect_vreg.gather [hbm4b:s1+s3], $0x80, v4, vm0, $0xb8;
	[tilespmem:$0x8080] =	vst v63  }
0x15a: {  	_ = 	snop  }
0x15b: {  	[tilespmem:s23], [sflag:$0x1] =	stream.indirect_vreg.gather [hbm4b:s1+s3], $0x80, v3, vm0, $0xb8;
	[tilespmem:$0x8080] =	vst v63  }
0x15c: {  	v3 =	vld [tilespmem:$0x50];
	_ =	sdelay $0x4  }
0x15d: {  	v61 =	vshll.u32 v3, $0x1  }
0x15e: {  	v3 =	vand.u32 $0x7, v3;
	v4 =	vand.u32 $0xFFFFFFF0, v61  }
0x15f: {  	v3 =	vor.u32 v3, v4  }
0x160: {  	v4 =	vperm.xlane v3, v0;
	_ =	sdelay $0x1  }
0x161: {  	v3 =	vperm.xlane v3, v2;
	v4 =	vadd.s32 v1, v4;
	_ =	sdelay $0x1  }
0x162: {  	v3 =	vadd.s32 v1, v3;
	_ =	sdelay $0x2  }
0x163: {  	[tilespmem:s24], [sflag:$0x1] =	stream.indirect_vreg.gather [hbm4b:s1+s3], $0x80, v4, vm0, $0xb8;
	[tilespmem:$0x8080] =	vst v63  }
0x164: {  	_ = 	snop  }
0x165: {  	[tilespmem:s25], [sflag:$0x1] =	stream.indirect_vreg.gather [hbm4b:s1+s3], $0x80, v3, vm0, $0xb8;
	[tilespmem:$0x8080] =	vst v63  }
0x166: {  	v3 =	vld [tilespmem:$0x60];
	_ =	sdelay $0x4  }
0x167: {  	v62 =	vshll.u32 v3, $0x1  }
0x168: {  	v3 =	vand.u32 $0x7, v3;
	v4 =	vand.u32 $0xFFFFFFF0, v62  }
0x169: {  	v3 =	vor.u32 v3, v4  }
0x16a: {  	v4 =	vperm.xlane v3, v0;
	_ =	sdelay $0x1  }
0x16b: {  	v3 =	vperm.xlane v3, v2;
	v4 =	vadd.s32 v1, v4;
	_ =	sdelay $0x1  }
0x16c: {  	v3 =	vadd.s32 v1, v3;
	_ =	sdelay $0x2  }
0x16d: {  	[tilespmem:s26], [sflag:$0x1] =	stream.indirect_vreg.gather [hbm4b:s1+s3], $0x80, v4, vm0, $0xb8;
	[tilespmem:$0x8080] =	vst v63  }
0x16e: {  	_ = 	snop  }
0x16f: {  	[tilespmem:s28], [sflag:$0x1] =	stream.indirect_vreg.gather [hbm4b:s1+s3], $0x80, v3, vm0, $0xb8;
	[tilespmem:$0x8080] =	vst v63  }
0x170: {  	v3 =	vld [tilespmem:$0x70];
	_ =	sdelay $0x4  }
0x171: {  	v63 =	vshll.u32 v3, $0x1  }
0x172: {  	v3 =	vand.u32 $0x7, v3;
	v4 =	vand.u32 $0xFFFFFFF0, v63  }
0x173: {  	v3 =	vor.u32 v3, v4  }
0x174: {  	v4 =	vperm.xlane v3, v0;
	_ =	sdelay $0x1  }
0x175: {  	v3 =	vperm.xlane v3, v2;
	v4 =	vadd.s32 v1, v4;
	_ =	sdelay $0x1  }
0x176: {  	v3 =	vadd.s32 v1, v3;
	_ =	sdelay $0x2  }
0x177: {  	[tilespmem:s29], [sflag:$0x1] =	stream.indirect_vreg.gather [hbm4b:s1+s3], $0x80, v4, vm0, $0xb8;
	[tilespmem:$0x8080] =	vst v63  }
0x178: {  	_ = 	snop  }
0x179: {  	[tilespmem:s30], [sflag:$0x1] =	stream.indirect_vreg.gather [hbm4b:s1+s3], $0x80, v3, vm0, $0xb8;
	[tilespmem:$0x8080] =	vst v63  }
0x17a: {  	_ =	swait.ge [sflag:s31], $0x8000  }
0x17b: {  	p0 =	sne.s32 s12, $0x1;
	[sflag:s31] =	ssyncset.done $0x0  }
.Ltmp0:
0x17c: {  	[sflag:s31] =	ssyncadd.s32 $0xFFFF8000;
	(pc) =	sbr.rel @p0 .LBB2_1-.Ltmp0, $4  }
0x17d: {  	[hbm4b:s11+s3] =	stream.linear.scatter [tilespmem:s14], [sflag:$0x2], $0x8000, $0x38;
	[tilespmem:$0x8080] =	vst v63  }
0x17e: {  	_ =	swait.ge [sflag:s13], $0x8000  }
0x17f: {  	[sflag:s13] =	ssyncset.done $0x0  }
0x180: {  	s12 =	sadd.s32 $0xFFFFFFFF, s12;
	[sflag:s13] =	ssyncadd.s32 $0xFFFF8000  }
0x181: {  	_ =	sfence.sel $0x180000  }
0x182: {  	[bflag:$0x0] =	sbarrier.arrive $0xFFFF  }
0x183: {  	p0 =	sne.s32 s2, $0x0;
	_ =	strace $0x90000047  }
0x184: {  	s0 =	sadd.s32 @!p0 $0x100000, s0;
	[bflag:$0x2] =	sbarrier.arrive $0xFFFF  }
0x185: {  	[sflag:s0] =	ssyncadd.tile.s32 @!p0 $0x1;
	_ =	shalt  }
.Lfunc_end2:
_tile_overlayer_lowered:
.L_overlay_start_2:
0x186: {  	(tag) =	ssettag $0x2  }
0x187: {  	s0 =	rddreg [dreg:$0x0];
	s2 =	stileid.u32  }
0x188: {  	s1 =	rddreg [dreg:$0x1];
	p0 =	sne.s32 s2, $0x0  }
0x189: {  	s3 =	rddreg [dreg:$0x2];
	[bflag:$0x3] =	sbarrier.arrive $0xFFFF;
	s2 =	simm.s32 @!p0 $0x1C02  }
0x18a: {  	[timem:s3], [sflag:s2] =	dma.local @!p0 [hbm:s0], s1  }
0x18b: {  	s0 =	simm.s32 @!p0 $0x2  }
0x18c: {  	_ =	swait.ge @!p0 [sflag:s0], s1  }
0x18d: {  	s1 =	ssub.s32 @!p0 $0x0, s1;
	[sflag:s0] =	ssyncset.done @!p0 $0x0  }
0x18e: {  	[sflag:s0] =	ssyncadd.s32 @!p0 s1  }
0x18f: {  	[bflag:$0x3] =	sbarrier.arrive $0xFFFF  }
0x190: {  	_ =	shalt  }

</sc_bundles>
